<compile_context>
chip_gen: v7x
topology: tpu7x:2x2x1
jax: 0.10.2.dev20260603
libtpu: 0.0.44.dev20260713+nightly
codegen_flags: <defaults>
</compile_context>

<pallas_src>
import functools

import jax
import jax.numpy as jnp
from jax import lax
from jax.experimental import pallas as pl
from jax.experimental.pallas import tpu as pltpu
from jax.experimental.pallas import tpu_sc as plsc

M = 131072
B = 16384
D = 128
V = 1000
VPAD = 1024
BLK = 1024
NEG = -1e30

_NC = 2
_NS = 16
_NW = _NC * _NS
_BPW = B // _NW
_CHUNK = 128


def _sc_gather_body(h_p, c_p, h_s, c_s, emb_t, pidx, sidx, lidx,
                    o_hpar, o_cpar, o_hprev, o_cprev, o_emb,
                    idx_v, rows_v, sem):
    wid = lax.axis_index("s") * _NC + lax.axis_index("c")
    base = wid * _BPW

    def one_gather(table, idx_hbm, out_hbm):
        for j in range(_BPW // _CHUNK):
            pltpu.sync_copy(idx_hbm.at[pl.ds(base + j * _CHUNK, _CHUNK)], idx_v)
            pltpu.async_copy(table.at[idx_v], rows_v.at[pl.ds(j * _CHUNK, _CHUNK)], sem).wait()
        pltpu.sync_copy(rows_v, out_hbm.at[pl.ds(base, _BPW)])

    one_gather(h_p, pidx, o_hpar)
    one_gather(c_p, pidx, o_cpar)
    one_gather(h_s, sidx, o_hprev)
    one_gather(c_s, sidx, o_cprev)
    one_gather(emb_t, lidx, o_emb)


def _sc_gather(h_p, c_p, h_s, c_s, emb_table, parent_idx, prev_sib_idx, labels):
    out = jax.ShapeDtypeStruct((B, D), jnp.float32)
    fn = pl.kernel(
        _sc_gather_body,
        out_type=[out] * 5,
        mesh=plsc.VectorSubcoreMesh(core_axis_name="c", subcore_axis_name="s"),
        scratch_types=[
            pltpu.VMEM((_CHUNK,), jnp.int32),
            pltpu.VMEM((_BPW, D), jnp.float32),
            pltpu.SemaphoreType.DMA,
        ],
    )
    return fn(h_p, c_p, h_s, c_s, emb_table, parent_idx, prev_sib_idx, labels)


def _tc_body(hpar, cpar, hprev, cprev, emb, ypi, ysi, lab,
             u_pt, u_st, wdw, ones16, wpred, bpred,
             wih_p, whh_p, bias_p, wih_s, whh_s, bias_s, scal,
             hp_any, cp_any, hs_any, cs_any,
             loss_ref, o_hp, o_cp, o_hs, o_cs):
    i = pl.program_id(0)
    n = pl.num_programs(0)

    y_p = ypi[...].astype(jnp.float32)
    y_s = ysi[...].astype(jnp.float32)
    h_par = hpar[...]
    h_prv = hprev[...]
    e16 = emb[...].astype(jnp.bfloat16)
    hpar16 = h_par.astype(jnp.bfloat16)
    hprv16 = h_prv.astype(jnp.bfloat16)

    h_pred = jnp.tanh(
        jnp.dot(hpar16, u_pt[...], preferred_element_type=jnp.float32)
        + jnp.dot(hprv16, u_st[...], preferred_element_type=jnp.float32)
    )
    h_pred16 = h_pred.astype(jnp.bfloat16)

    b_depth = scal[0]
    b_width = scal[1]

    def rowsum(x):
        parts = x[:, 0:128]
        for k in range(128, x.shape[1], 128):
            parts = parts + x[:, k:k + 128]
        return jnp.dot(parts.astype(jnp.bfloat16), ones16[...],
                       preferred_element_type=jnp.float32)[:, 0:1]

    dw = jnp.dot(h_pred16, wdw[...], preferred_element_type=jnp.float32)
    d_logit = dw[:, 0:1] + b_depth
    w_logit = dw[:, 1:2] + b_width

    def bce_row(x, y):
        return jnp.maximum(x, 0.0) + jnp.log1p(jnp.exp(-jnp.abs(x))) - x * y

    logits = (jnp.dot(h_pred16, wpred[...], preferred_element_type=jnp.float32)
              + bpred[...])
    mx = jnp.max(logits, axis=1, keepdims=True)
    lse = jnp.log(rowsum(jnp.exp(logits - mx))) + mx
    iota = lax.broadcasted_iota(jnp.int32, (BLK, VPAD), 1)
    picked = rowsum(jnp.where(iota == lab[...], logits, 0.0))
    rowtot = (lse - picked) + bce_row(d_logit, y_p) + bce_row(w_logit, y_s)
    part = jnp.sum(rowtot)

    def sig(x):
        return 0.5 * jnp.tanh(0.5 * x) + 0.5

    def lstm(x16, h16, c, w_ih, w_hh, b):
        g = (jnp.dot(x16, w_ih[...], preferred_element_type=jnp.float32)
             + jnp.dot(h16, w_hh[...], preferred_element_type=jnp.float32)
             + b[...])
        ig = sig(g[:, 0:D])
        fg = sig(g[:, D:2 * D])
        gg = jnp.tanh(g[:, 2 * D:3 * D])
        og = sig(g[:, 3 * D:4 * D])
        c2 = fg * c + ig * gg
        return og * jnp.tanh(c2), c2

    h_pn, c_pn = lstm(e16, hpar16, cpar[...], wih_p, whh_p, bias_p)
    h_sn, c_sn = lstm(e16, hprv16, cprev[...], wih_s, whh_s, bias_s)

    o_hp[...] = h_pn
    o_cp[...] = c_pn
    o_hs[...] = h_sn
    o_cs[...] = c_sn

    @pl.when(i == 0)
    def _init():
        loss_ref[0, 0] = 0.0

    loss_ref[0, 0] += part

    @pl.when(i == n - 1)
    def _fin():
        loss_ref[0, 0] = loss_ref[0, 0] * (1.0 / M)


def _tc_compute(hpar, cpar, hprev, cprev, emb, ypi, ysi, lab2,
                u_pt, u_st, wdw, ones16, wpred, bpred,
                wih_p, whh_p, bias_p, wih_s, whh_s, bias_s, scal,
                h_p, c_p, h_s, c_s):
    grid = B // BLK
    row = pl.BlockSpec((BLK, D), lambda i: (i, 0))
    col1 = pl.BlockSpec((BLK, 1), lambda i: (i, 0))
    full = lambda a, b: pl.BlockSpec((a, b), lambda i: (0, 0))
    anyspec = pl.BlockSpec(memory_space=pl.ANY)
    out_shape = [
        jax.ShapeDtypeStruct((1, 1), jnp.float32),
        jax.ShapeDtypeStruct((M, D), jnp.float32),
        jax.ShapeDtypeStruct((M, D), jnp.float32),
        jax.ShapeDtypeStruct((M, D), jnp.float32),
        jax.ShapeDtypeStruct((M, D), jnp.float32),
    ]
    return pl.pallas_call(
        _tc_body,
        grid=grid,
        in_specs=[
            row, row, row, row, row,
            col1, col1, col1,
            full(D, D), full(D, D),
            full(D, D), full(D, D),
            full(D, VPAD), full(1, VPAD),
            full(D, 4 * D), full(D, 4 * D), full(1, 4 * D),
            full(D, 4 * D), full(D, 4 * D), full(1, 4 * D),
            pl.BlockSpec(memory_space=pltpu.SMEM),
            anyspec, anyspec, anyspec, anyspec,
        ],
        out_specs=[
            pl.BlockSpec(memory_space=pltpu.SMEM),
            row, row, row, row,
        ],
        out_shape=out_shape,
        input_output_aliases={21: 1, 22: 2, 23: 3, 24: 4},
    )(hpar, cpar, hprev, cprev, emb, ypi, ysi, lab2,
      u_pt, u_st, wdw, ones16, wpred, bpred,
      wih_p, whh_p, bias_p, wih_s, whh_s, bias_s, scal,
      h_p, c_p, h_s, c_s)


def kernel(h_p, c_p, h_s, c_s, parent_idx, prev_sib_idx, cur_idx, labels,
           is_parent_i, has_sibling_i, U_parent, U_sibling, W_depth, b_depth,
           W_width, b_width, W_pred, b_pred, emb_table, W_ih_p, W_hh_p,
           b_ih_p, b_hh_p, W_ih_s, W_hh_s, b_ih_s, b_hh_s, off_p, off_s):
    hpar, cpar, hprev, cprev, emb = _sc_gather(
        h_p, c_p, h_s, c_s, emb_table, parent_idx, prev_sib_idx, labels)

    bf = jnp.bfloat16
    wpred = jnp.pad(W_pred, ((0, 0), (0, VPAD - V))).astype(bf)
    bpred = jnp.pad(b_pred, (0, VPAD - V), constant_values=NEG).reshape(1, VPAD)
    wdw = jnp.concatenate([W_depth, W_width, jnp.zeros((D, D - 2))], axis=1).astype(bf)
    ones16 = jnp.ones((D, D), bf)
    scal = jnp.concatenate([b_depth, b_width]).astype(jnp.float32)
    lab2 = labels.reshape(B, 1)

    loss, h_p2, c_p2, h_s2, c_s2 = _tc_compute(
        hpar, cpar, hprev, cprev, emb, is_parent_i, has_sibling_i, lab2,
        U_parent.T.astype(bf), U_sibling.T.astype(bf),
        wdw, ones16,
        wpred, bpred,
        W_ih_p.astype(bf), W_hh_p.astype(bf), (b_ih_p + b_hh_p).reshape(1, 4 * D),
        W_ih_s.astype(bf), W_hh_s.astype(bf), (b_ih_s + b_hh_s).reshape(1, 4 * D),
        scal,
        h_p, c_p, h_s, c_s)
    return (loss[0, 0], h_p2, c_p2, h_s2, c_s2)

# --- scband reference (transcript-rebuilt; emitter-appended) ---
"""Pipeline reference for scband-tree-lstm-decoder-complete-7524782702720 (READ-ONLY COPY).

The authoritative reference and input builder live on the scoring server;
editing this copy changes nothing except your own understanding.
"""

import jax, jax.numpy as jnp
import numpy as np

M = 131072
B = 16384
D = 128
E = 128
V = 1000


def _lstm_cell(x, h, c, W_ih, W_hh, b_ih, b_hh):
    g = x @ W_ih + b_ih + h @ W_hh + b_hh
    i, f, gg, o = jnp.split(g, 4, axis=-1)
    i = jax.nn.sigmoid(i)
    f = jax.nn.sigmoid(f)
    gg = jnp.tanh(gg)
    o = jax.nn.sigmoid(o)
    c2 = f * c + i * gg
    h2 = o * jnp.tanh(c2)
    return h2, c2


def setup_inputs(seed: int = 0):
    key = jax.random.key(seed)
    ks = jax.random.split(key, 40)
    s = 0.05
    inp = {}
    inp['h_p'] = jax.random.normal(ks[0], (M, D), jnp.float32)
    inp['c_p'] = jax.random.normal(ks[1], (M, D), jnp.float32)
    inp['h_s'] = jax.random.normal(ks[2], (M, D), jnp.float32)
    inp['c_s'] = jax.random.normal(ks[3], (M, D), jnp.float32)
    inp['parent_idx'] = jax.random.randint(ks[4], (B,), 0, M, jnp.int32)
    inp['prev_sib_idx'] = jax.random.randint(ks[5], (B,), 0, M, jnp.int32)
    inp['cur_idx'] = jnp.arange(B, dtype=jnp.int32)
    inp['labels'] = jax.random.randint(ks[6], (B,), 0, V, jnp.int32)
    inp['is_parent_i'] = jax.random.randint(ks[7], (B, 1), 0, 2, jnp.int32)
    inp['has_sibling_i'] = jax.random.randint(ks[8], (B, 1), 0, 2, jnp.int32)
    inp['U_parent'] = s * jax.random.normal(ks[9], (D, D), jnp.float32)
    inp['U_sibling'] = s * jax.random.normal(ks[10], (D, D), jnp.float32)
    inp['W_depth'] = s * jax.random.normal(ks[11], (D, 1), jnp.float32)
    inp['b_depth'] = jnp.zeros((1,), jnp.float32)
    inp['W_width'] = s * jax.random.normal(ks[12], (D, 1), jnp.float32)
    inp['b_width'] = jnp.zeros((1,), jnp.float32)
    inp['W_pred'] = s * jax.random.normal(ks[13], (D, V), jnp.float32)
    inp['b_pred'] = jnp.zeros((V,), jnp.float32)
    inp['emb_table'] = s * jax.random.normal(ks[14], (V, E), jnp.float32)
    inp['W_ih_p'] = s * jax.random.normal(ks[15], (E, 4 * D), jnp.float32)
    inp['W_hh_p'] = s * jax.random.normal(ks[16], (D, 4 * D), jnp.float32)
    inp['b_ih_p'] = jnp.zeros((4 * D,), jnp.float32)
    inp['b_hh_p'] = jnp.zeros((4 * D,), jnp.float32)
    inp['W_ih_s'] = s * jax.random.normal(ks[17], (E, 4 * D), jnp.float32)
    inp['W_hh_s'] = s * jax.random.normal(ks[18], (D, 4 * D), jnp.float32)
    inp['b_ih_s'] = jnp.zeros((4 * D,), jnp.float32)
    inp['b_hh_s'] = jnp.zeros((4 * D,), jnp.float32)
    inp['off_p'] = s * jax.random.normal(ks[19], (1, 1), jnp.float32)
    inp['off_s'] = s * jax.random.normal(ks[20], (1, 1), jnp.float32)
    return inp


def reference(h_p, c_p, h_s, c_s, parent_idx, prev_sib_idx, cur_idx, labels,
              is_parent_i, has_sibling_i, U_parent, U_sibling, W_depth, b_depth,
              W_width, b_width, W_pred, b_pred, emb_table, W_ih_p, W_hh_p,
              b_ih_p, b_hh_p, W_ih_s, W_hh_s, b_ih_s, b_hh_s, off_p, off_s):
    y_p = is_parent_i.astype(jnp.float32)
    y_s = has_sibling_i.astype(jnp.float32)
    # gather parent / previous-sibling hidden and cell states from node memory
    h_parent = jnp.take(h_p, parent_idx, axis=0)
    c_parent = jnp.take(c_p, parent_idx, axis=0)
    h_prev = jnp.take(h_s, prev_sib_idx, axis=0)
    c_prev = jnp.take(c_s, prev_sib_idx, axis=0)
    # combined prediction hidden state
    h_pred = jnp.tanh(h_parent @ U_parent.T + h_prev @ U_sibling.T)
    # depth / width BCE-with-logits losses (reduction='sum')
    d_logit = h_pred @ W_depth + b_depth
    w_logit = h_pred @ W_width + b_width
    loss = jnp.sum(jnp.logaddexp(0.0, d_logit) - d_logit * y_p)
    loss = loss + jnp.sum(jnp.logaddexp(0.0, w_logit) - w_logit * y_s)
    # label prediction with parent/sibling offsets, cross-entropy (sum)
    logits = h_pred @ W_pred + b_pred + y_p @ off_p.T + y_s @ off_s.T
    lse = jax.scipy.special.logsumexp(logits, axis=-1)
    picked = jnp.take_along_axis(logits, labels[:, None], axis=1)[:, 0]
    loss = loss + jnp.sum(lse - picked)
    # teacher-forced embedding of true labels
    emb = jnp.take(emb_table, labels, axis=0)
    # parent-path and sibling-path LSTM cells
    h_pn, c_pn = _lstm_cell(emb, h_parent, c_parent, W_ih_p, W_hh_p, b_ih_p, b_hh_p)
    h_sn, c_sn = _lstm_cell(emb, h_prev, c_prev, W_ih_s, W_hh_s, b_ih_s, b_hh_s)
    # scatter updated states back into the node-state memory
    h_p2 = h_p.at[cur_idx].set(h_pn)
    c_p2 = c_p.at[cur_idx].set(c_pn)
    h_s2 = h_s.at[cur_idx].set(h_sn)
    c_s2 = c_s.at[cur_idx].set(c_sn)
    return (loss / M, h_p2, c_p2, h_s2, c_s2)

if __name__ == "__main__":
    import jax
    _d = setup_inputs()
    print(jax.jit(kernel)(*tuple(_d.values())))

</pallas_src>

<mosaic_0001>
#map = affine_map<(d0, d1) -> (0, 0)>
#map1 = affine_map<(d0, d1) -> (0)>
module attributes {stable_mosaic.version = 14 : i64} {
  func.func @_sc_gather_body(%arg0: i32, %arg1: i32, %arg2: memref<131072x128xf32, #tpu.memory_space<hbm>>, %arg3: memref<131072x128xf32, #tpu.memory_space<hbm>>, %arg4: memref<131072x128xf32, #tpu.memory_space<hbm>>, %arg5: memref<131072x128xf32, #tpu.memory_space<hbm>>, %arg6: memref<1000x128xf32, #tpu.memory_space<hbm>>, %arg7: memref<16384xi32, #tpu.memory_space<hbm>>, %arg8: memref<16384xi32, #tpu.memory_space<hbm>>, %arg9: memref<16384xi32, #tpu.memory_space<hbm>>, %arg10: memref<16384x128xf32, #tpu.memory_space<hbm>>, %arg11: memref<16384x128xf32, #tpu.memory_space<hbm>>, %arg12: memref<16384x128xf32, #tpu.memory_space<hbm>>, %arg13: memref<16384x128xf32, #tpu.memory_space<hbm>>, %arg14: memref<16384x128xf32, #tpu.memory_space<hbm>>, %arg15: memref<128xi32, #tpu.memory_space<vmem>>, %arg16: memref<512x128xf32, #tpu.memory_space<vmem>>, %arg17: memref<!tpu.dma_semaphore, #tpu.memory_space<semaphore_mem>>) attributes {dimension_semantics = [#tpu.dimension_semantics<core_parallel>, #tpu.dimension_semantics<subcore_parallel>], iteration_bounds = array<i64: 2, 16>, scalar_prefetch = 0 : i64, scratch_operands = 3 : i64, tpu.core_type = #tpu.core_type<sc_vector_subcore>, window_params = [{transform_indices = #map}, {transform_indices = #map}, {transform_indices = #map}, {transform_indices = #map}, {transform_indices = #map}, {transform_indices = #map1}, {transform_indices = #map1}, {transform_indices = #map1}, {transform_indices = #map}, {transform_indices = #map}, {transform_indices = #map}, {transform_indices = #map}, {transform_indices = #map}]} {
    %mul3A = arith.constant 2 : i32
    %mul3A_0 = arith.muli %arg1, %mul3A : i32
    %add3A = arith.addi %mul3A_0, %arg0 : i32
    %mul3A_1 = arith.constant 512 : i32
    %mul3A_2 = arith.muli %add3A, %mul3A_1 : i32
    %add3A_3 = arith.constant 0 : i32
    %add3A_4 = arith.addi %mul3A_2, %add3A_3 : i32
    "tpu.region"() ({
      %run_scoped3A = tpu.sem_alloc : memref<!tpu.dma_semaphore, #tpu.memory_space<semaphore_mem>>
      %dma_start3A_281 = tpu.memref_slice %arg7[%add3A_4] : memref<16384xi32, #tpu.memory_space<hbm>> -> memref<128xi32, #tpu.memory_space<hbm>>
      %dma_start3A_282 = tpu.memref_slice %arg7[%add3A_4] : memref<16384xi32, #tpu.memory_space<hbm>> -> memref<128xi32, #tpu.memory_space<hbm>>
      tpu.enqueue_dma source(%dma_start3A_282 : memref<128xi32, #tpu.memory_space<hbm>>) target(%arg15 : memref<128xi32, #tpu.memory_space<vmem>>) target_semaphore(%run_scoped3A : memref<!tpu.dma_semaphore, #tpu.memory_space<semaphore_mem>>)
      %dma_wait3A_283 = tpu.memref_slice %arg7[%add3A_4] : memref<16384xi32, #tpu.memory_space<hbm>> -> memref<128xi32, #tpu.memory_space<hbm>>
      %dma_wait3A_284 = tpu.memref_slice %arg7[%add3A_4] : memref<16384xi32, #tpu.memory_space<hbm>> -> memref<128xi32, #tpu.memory_space<hbm>>
      tpu.wait_dma2 semaphore(%run_scoped3A : memref<!tpu.dma_semaphore, #tpu.memory_space<semaphore_mem>>) src(%dma_wait3A_284 : memref<128xi32, #tpu.memory_space<hbm>>) dst(%arg15 : memref<128xi32, #tpu.memory_space<vmem>>)
      tpu.yield
    }) : () -> ()
    %dma_start3A = arith.constant 0 : i32
    %dma_start3A_5 = arith.constant 0 : i32
    %dma_start3A_6 = tpu.memref_slice %arg16[%dma_start3A, %dma_start3A_5] : memref<512x128xf32, #tpu.memory_space<vmem>> -> memref<128x128xf32, #tpu.memory_space<vmem>>
    %dma_start3A_7 = arith.constant 0 : i32
    %dma_start3A_8 = arith.constant 0 : i32
    %dma_start3A_9 = tpu.memref_slice %arg2[%dma_start3A_7, %dma_start3A_8] : memref<131072x128xf32, #tpu.memory_space<hbm>> -> memref<131072x128xf32, #tpu.memory_space<hbm>>
    tpu.enqueue_indirect_dma source(%dma_start3A_9 : memref<131072x128xf32, #tpu.memory_space<hbm>>) target(%dma_start3A_6 : memref<128x128xf32, #tpu.memory_space<vmem>>) offsets(%arg15 : memref<128xi32, #tpu.memory_space<vmem>>) semaphore(%arg17 : memref<!tpu.dma_semaphore, #tpu.memory_space<semaphore_mem>>)
    %dma_wait3A = arith.constant 0 : i32
    %dma_wait3A_10 = arith.constant 0 : i32
    %dma_wait3A_11 = tpu.memref_slice %arg16[%dma_wait3A, %dma_wait3A_10] : memref<512x128xf32, #tpu.memory_space<vmem>> -> memref<128x128xf32, #tpu.memory_space<vmem>>
    %dma_wait3A_12 = arith.constant 0 : i32
    %dma_wait3A_13 = arith.constant 0 : i32
    %dma_wait3A_14 = tpu.memref_slice %arg2[%dma_wait3A_12, %dma_wait3A_13] : memref<131072x128xf32, #tpu.memory_space<hbm>> -> memref<131072x128xf32, #tpu.memory_space<hbm>>
    tpu.wait_indirect_dma semaphore(%arg17 : memref<!tpu.dma_semaphore, #tpu.memory_space<semaphore_mem>>) src(%dma_wait3A_14 : memref<131072x128xf32, #tpu.memory_space<hbm>>) dst(%dma_wait3A_11 : memref<128x128xf32, #tpu.memory_space<vmem>>)
    %add3A_15 = arith.constant 128 : i32
    %add3A_16 = arith.addi %mul3A_2, %add3A_15 : i32
    "tpu.region"() ({
      %run_scoped3A = tpu.sem_alloc : memref<!tpu.dma_semaphore, #tpu.memory_space<semaphore_mem>>
      %dma_start3A_281 = tpu.memref_slice %arg7[%add3A_16] : memref<16384xi32, #tpu.memory_space<hbm>> -> memref<128xi32, #tpu.memory_space<hbm>>
      %dma_start3A_282 = tpu.memref_slice %arg7[%add3A_16] : memref<16384xi32, #tpu.memory_space<hbm>> -> memref<128xi32, #tpu.memory_space<hbm>>
      tpu.enqueue_dma source(%dma_start3A_282 : memref<128xi32, #tpu.memory_space<hbm>>) target(%arg15 : memref<128xi32, #tpu.memory_space<vmem>>) target_semaphore(%run_scoped3A : memref<!tpu.dma_semaphore, #tpu.memory_space<semaphore_mem>>)
      %dma_wait3A_283 = tpu.memref_slice %arg7[%add3A_16] : memref<16384xi32, #tpu.memory_space<hbm>> -> memref<128xi32, #tpu.memory_space<hbm>>
      %dma_wait3A_284 = tpu.memref_slice %arg7[%add3A_16] : memref<16384xi32, #tpu.memory_space<hbm>> -> memref<128xi32, #tpu.memory_space<hbm>>
      tpu.wait_dma2 semaphore(%run_scoped3A : memref<!tpu.dma_semaphore, #tpu.memory_space<semaphore_mem>>) src(%dma_wait3A_284 : memref<128xi32, #tpu.memory_space<hbm>>) dst(%arg15 : memref<128xi32, #tpu.memory_space<vmem>>)
      tpu.yield
    }) : () -> ()
    %dma_start3A_17 = arith.constant 128 : i32
    %dma_start3A_18 = arith.constant 0 : i32
    %dma_start3A_19 = tpu.memref_slice %arg16[%dma_start3A_17, %dma_start3A_18] : memref<512x128xf32, #tpu.memory_space<vmem>> -> memref<128x128xf32, #tpu.memory_space<vmem>>
    %dma_start3A_20 = arith.constant 0 : i32
    %dma_start3A_21 = arith.constant 0 : i32
    %dma_start3A_22 = tpu.memref_slice %arg2[%dma_start3A_20, %dma_start3A_21] : memref<131072x128xf32, #tpu.memory_space<hbm>> -> memref<131072x128xf32, #tpu.memory_space<hbm>>
    tpu.enqueue_indirect_dma source(%dma_start3A_22 : memref<131072x128xf32, #tpu.memory_space<hbm>>) target(%dma_start3A_19 : memref<128x128xf32, #tpu.memory_space<vmem>>) offsets(%arg15 : memref<128xi32, #tpu.memory_space<vmem>>) semaphore(%arg17 : memref<!tpu.dma_semaphore, #tpu.memory_space<semaphore_mem>>)
    %dma_wait3A_23 = arith.constant 128 : i32
    %dma_wait3A_24 = arith.constant 0 : i32
    %dma_wait3A_25 = tpu.memref_slice %arg16[%dma_wait3A_23, %dma_wait3A_24] : memref<512x128xf32, #tpu.memory_space<vmem>> -> memref<128x128xf32, #tpu.memory_space<vmem>>
    %dma_wait3A_26 = arith.constant 0 : i32
    %dma_wait3A_27 = arith.constant 0 : i32
    %dma_wait3A_28 = tpu.memref_slice %arg2[%dma_wait3A_26, %dma_wait3A_27] : memref<131072x128xf32, #tpu.memory_space<hbm>> -> memref<131072x128xf32, #tpu.memory_space<hbm>>
    tpu.wait_indirect_dma semaphore(%arg17 : memref<!tpu.dma_semaphore, #tpu.memory_space<semaphore_mem>>) src(%dma_wait3A_28 : memref<131072x128xf32, #tpu.memory_space<hbm>>) dst(%dma_wait3A_25 : memref<128x128xf32, #tpu.memory_space<vmem>>)
    %add3A_29 = arith.constant 256 : i32
    %add3A_30 = arith.addi %mul3A_2, %add3A_29 : i32
    "tpu.region"() ({
      %run_scoped3A = tpu.sem_alloc : memref<!tpu.dma_semaphore, #tpu.memory_space<semaphore_mem>>
      %dma_start3A_281 = tpu.memref_slice %arg7[%add3A_30] : memref<16384xi32, #tpu.memory_space<hbm>> -> memref<128xi32, #tpu.memory_space<hbm>>
      %dma_start3A_282 = tpu.memref_slice %arg7[%add3A_30] : memref<16384xi32, #tpu.memory_space<hbm>> -> memref<128xi32, #tpu.memory_space<hbm>>
      tpu.enqueue_dma source(%dma_start3A_282 : memref<128xi32, #tpu.memory_space<hbm>>) target(%arg15 : memref<128xi32, #tpu.memory_space<vmem>>) target_semaphore(%run_scoped3A : memref<!tpu.dma_semaphore, #tpu.memory_space<semaphore_mem>>)
      %dma_wait3A_283 = tpu.memref_slice %arg7[%add3A_30] : memref<16384xi32, #tpu.memory_space<hbm>> -> memref<128xi32, #tpu.memory_space<hbm>>
      %dma_wait3A_284 = tpu.memref_slice %arg7[%add3A_30] : memref<16384xi32, #tpu.memory_space<hbm>> -> memref<128xi32, #tpu.memory_space<hbm>>
      tpu.wait_dma2 semaphore(%run_scoped3A : memref<!tpu.dma_semaphore, #tpu.memory_space<semaphore_mem>>) src(%dma_wait3A_284 : memref<128xi32, #tpu.memory_space<hbm>>) dst(%arg15 : memref<128xi32, #tpu.memory_space<vmem>>)
      tpu.yield
    }) : () -> ()
    %dma_start3A_31 = arith.constant 256 : i32
    %dma_start3A_32 = arith.constant 0 : i32
    %dma_start3A_33 = tpu.memref_slice %arg16[%dma_start3A_31, %dma_start3A_32] : memref<512x128xf32, #tpu.memory_space<vmem>> -> memref<128x128xf32, #tpu.memory_space<vmem>>
    %dma_start3A_34 = arith.constant 0 : i32
    %dma_start3A_35 = arith.constant 0 : i32
    %dma_start3A_36 = tpu.memref_slice %arg2[%dma_start3A_34, %dma_start3A_35] : memref<131072x128xf32, #tpu.memory_space<hbm>> -> memref<131072x128xf32, #tpu.memory_space<hbm>>
    tpu.enqueue_indirect_dma source(%dma_start3A_36 : memref<131072x128xf32, #tpu.memory_space<hbm>>) target(%dma_start3A_33 : memref<128x128xf32, #tpu.memory_space<vmem>>) offsets(%arg15 : memref<128xi32, #tpu.memory_space<vmem>>) semaphore(%arg17 : memref<!tpu.dma_semaphore, #tpu.memory_space<semaphore_mem>>)
    %dma_wait3A_37 = arith.constant 256 : i32
    %dma_wait3A_38 = arith.constant 0 : i32
    %dma_wait3A_39 = tpu.memref_slice %arg16[%dma_wait3A_37, %dma_wait3A_38] : memref<512x128xf32, #tpu.memory_space<vmem>> -> memref<128x128xf32, #tpu.memory_space<vmem>>
    %dma_wait3A_40 = arith.constant 0 : i32
    %dma_wait3A_41 = arith.constant 0 : i32
    %dma_wait3A_42 = tpu.memref_slice %arg2[%dma_wait3A_40, %dma_wait3A_41] : memref<131072x128xf32, #tpu.memory_space<hbm>> -> memref<131072x128xf32, #tpu.memory_space<hbm>>
    tpu.wait_indirect_dma semaphore(%arg17 : memref<!tpu.dma_semaphore, #tpu.memory_space<semaphore_mem>>) src(%dma_wait3A_42 : memref<131072x128xf32, #tpu.memory_space<hbm>>) dst(%dma_wait3A_39 : memref<128x128xf32, #tpu.memory_space<vmem>>)
    %add3A_43 = arith.constant 384 : i32
    %add3A_44 = arith.addi %mul3A_2, %add3A_43 : i32
    "tpu.region"() ({
      %run_scoped3A = tpu.sem_alloc : memref<!tpu.dma_semaphore, #tpu.memory_space<semaphore_mem>>
      %dma_start3A_281 = tpu.memref_slice %arg7[%add3A_44] : memref<16384xi32, #tpu.memory_space<hbm>> -> memref<128xi32, #tpu.memory_space<hbm>>
      %dma_start3A_282 = tpu.memref_slice %arg7[%add3A_44] : memref<16384xi32, #tpu.memory_space<hbm>> -> memref<128xi32, #tpu.memory_space<hbm>>
      tpu.enqueue_dma source(%dma_start3A_282 : memref<128xi32, #tpu.memory_space<hbm>>) target(%arg15 : memref<128xi32, #tpu.memory_space<vmem>>) target_semaphore(%run_scoped3A : memref<!tpu.dma_semaphore, #tpu.memory_space<semaphore_mem>>)
      %dma_wait3A_283 = tpu.memref_slice %arg7[%add3A_44] : memref<16384xi32, #tpu.memory_space<hbm>> -> memref<128xi32, #tpu.memory_space<hbm>>
      %dma_wait3A_284 = tpu.memref_slice %arg7[%add3A_44] : memref<16384xi32, #tpu.memory_space<hbm>> -> memref<128xi32, #tpu.memory_space<hbm>>
      tpu.wait_dma2 semaphore(%run_scoped3A : memref<!tpu.dma_semaphore, #tpu.memory_space<semaphore_mem>>) src(%dma_wait3A_284 : memref<128xi32, #tpu.memory_space<hbm>>) dst(%arg15 : memref<128xi32, #tpu.memory_space<vmem>>)
      tpu.yield
    }) : () -> ()
    %dma_start3A_45 = arith.constant 384 : i32
    %dma_start3A_46 = arith.constant 0 : i32
    %dma_start3A_47 = tpu.memref_slice %arg16[%dma_start3A_45, %dma_start3A_46] : memref<512x128xf32, #tpu.memory_space<vmem>> -> memref<128x128xf32, #tpu.memory_space<vmem>>
    %dma_start3A_48 = arith.constant 0 : i32
    %dma_start3A_49 = arith.constant 0 : i32
    %dma_start3A_50 = tpu.memref_slice %arg2[%dma_start3A_48, %dma_start3A_49] : memref<131072x128xf32, #tpu.memory_space<hbm>> -> memref<131072x128xf32, #tpu.memory_space<hbm>>
    tpu.enqueue_indirect_dma source(%dma_start3A_50 : memref<131072x128xf32, #tpu.memory_space<hbm>>) target(%dma_start3A_47 : memref<128x128xf32, #tpu.memory_space<vmem>>) offsets(%arg15 : memref<128xi32, #tpu.memory_space<vmem>>) semaphore(%arg17 : memref<!tpu.dma_semaphore, #tpu.memory_space<semaphore_mem>>)
    %dma_wait3A_51 = arith.constant 384 : i32
    %dma_wait3A_52 = arith.constant 0 : i32
    %dma_wait3A_53 = tpu.memref_slice %arg16[%dma_wait3A_51, %dma_wait3A_52] : memref<512x128xf32, #tpu.memory_space<vmem>> -> memref<128x128xf32, #tpu.memory_space<vmem>>
    %dma_wait3A_54 = arith.constant 0 : i32
    %dma_wait3A_55 = arith.constant 0 : i32
    %dma_wait3A_56 = tpu.memref_slice %arg2[%dma_wait3A_54, %dma_wait3A_55] : memref<131072x128xf32, #tpu.memory_space<hbm>> -> memref<131072x128xf32, #tpu.memory_space<hbm>>
    tpu.wait_indirect_dma semaphore(%arg17 : memref<!tpu.dma_semaphore, #tpu.memory_space<semaphore_mem>>) src(%dma_wait3A_56 : memref<131072x128xf32, #tpu.memory_space<hbm>>) dst(%dma_wait3A_53 : memref<128x128xf32, #tpu.memory_space<vmem>>)
    "tpu.region"() ({
      %run_scoped3A = tpu.sem_alloc : memref<!tpu.dma_semaphore, #tpu.memory_space<semaphore_mem>>
      %dma_start3A_281 = arith.constant 0 : i32
      %dma_start3A_282 = tpu.memref_slice %arg10[%mul3A_2, %dma_start3A_281] : memref<16384x128xf32, #tpu.memory_space<hbm>> -> memref<512x128xf32, #tpu.memory_space<hbm>>
      %dma_start3A_283 = arith.constant 0 : i32
      %dma_start3A_284 = tpu.memref_slice %arg10[%mul3A_2, %dma_start3A_283] : memref<16384x128xf32, #tpu.memory_space<hbm>> -> memref<512x128xf32, #tpu.memory_space<hbm>>
      tpu.enqueue_dma source(%arg16 : memref<512x128xf32, #tpu.memory_space<vmem>>) target(%dma_start3A_284 : memref<512x128xf32, #tpu.memory_space<hbm>>) target_semaphore(%run_scoped3A : memref<!tpu.dma_semaphore, #tpu.memory_space<semaphore_mem>>)
      %dma_wait3A_285 = arith.constant 0 : i32
      %dma_wait3A_286 = tpu.memref_slice %arg10[%mul3A_2, %dma_wait3A_285] : memref<16384x128xf32, #tpu.memory_space<hbm>> -> memref<512x128xf32, #tpu.memory_space<hbm>>
      %dma_wait3A_287 = arith.constant 0 : i32
      %dma_wait3A_288 = tpu.memref_slice %arg10[%mul3A_2, %dma_wait3A_287] : memref<16384x128xf32, #tpu.memory_space<hbm>> -> memref<512x128xf32, #tpu.memory_space<hbm>>
      tpu.wait_dma2 semaphore(%run_scoped3A : memref<!tpu.dma_semaphore, #tpu.memory_space<semaphore_mem>>) src(%arg16 : memref<512x128xf32, #tpu.memory_space<vmem>>) dst(%dma_wait3A_288 : memref<512x128xf32, #tpu.memory_space<hbm>>)
      tpu.yield
    }) : () -> ()
    %add3A_57 = arith.constant 0 : i32
    %add3A_58 = arith.addi %mul3A_2, %add3A_57 : i32
    "tpu.region"() ({
      %run_scoped3A = tpu.sem_alloc : memref<!tpu.dma_semaphore, #tpu.memory_space<semaphore_mem>>
      %dma_start3A_281 = tpu.memref_slice %arg7[%add3A_58] : memref<16384xi32, #tpu.memory_space<hbm>> -> memref<128xi32, #tpu.memory_space<hbm>>
      %dma_start3A_282 = tpu.memref_slice %arg7[%add3A_58] : memref<16384xi32, #tpu.memory_space<hbm>> -> memref<128xi32, #tpu.memory_space<hbm>>
      tpu.enqueue_dma source(%dma_start3A_282 : memref<128xi32, #tpu.memory_space<hbm>>) target(%arg15 : memref<128xi32, #tpu.memory_space<vmem>>) target_semaphore(%run_scoped3A : memref<!tpu.dma_semaphore, #tpu.memory_space<semaphore_mem>>)
      %dma_wait3A_283 = tpu.memref_slice %arg7[%add3A_58] : memref<16384xi32, #tpu.memory_space<hbm>> -> memref<128xi32, #tpu.memory_space<hbm>>
      %dma_wait3A_284 = tpu.memref_slice %arg7[%add3A_58] : memref<16384xi32, #tpu.memory_space<hbm>> -> memref<128xi32, #tpu.memory_space<hbm>>
      tpu.wait_dma2 semaphore(%run_scoped3A : memref<!tpu.dma_semaphore, #tpu.memory_space<semaphore_mem>>) src(%dma_wait3A_284 : memref<128xi32, #tpu.memory_space<hbm>>) dst(%arg15 : memref<128xi32, #tpu.memory_space<vmem>>)
      tpu.yield
    }) : () -> ()
    %dma_start3A_59 = arith.constant 0 : i32
    %dma_start3A_60 = arith.constant 0 : i32
    %dma_start3A_61 = tpu.memref_slice %arg16[%dma_start3A_59, %dma_start3A_60] : memref<512x128xf32, #tpu.memory_space<vmem>> -> memref<128x128xf32, #tpu.memory_space<vmem>>
    %dma_start3A_62 = arith.constant 0 : i32
    %dma_start3A_63 = arith.constant 0 : i32
    %dma_start3A_64 = tpu.memref_slice %arg3[%dma_start3A_62, %dma_start3A_63] : memref<131072x128xf32, #tpu.memory_space<hbm>> -> memref<131072x128xf32, #tpu.memory_space<hbm>>
    tpu.enqueue_indirect_dma source(%dma_start3A_64 : memref<131072x128xf32, #tpu.memory_space<hbm>>) target(%dma_start3A_61 : memref<128x128xf32, #tpu.memory_space<vmem>>) offsets(%arg15 : memref<128xi32, #tpu.memory_space<vmem>>) semaphore(%arg17 : memref<!tpu.dma_semaphore, #tpu.memory_space<semaphore_mem>>)
    %dma_wait3A_65 = arith.constant 0 : i32
    %dma_wait3A_66 = arith.constant 0 : i32
    %dma_wait3A_67 = tpu.memref_slice %arg16[%dma_wait3A_65, %dma_wait3A_66] : memref<512x128xf32, #tpu.memory_space<vmem>> -> memref<128x128xf32, #tpu.memory_space<vmem>>
    %dma_wait3A_68 = arith.constant 0 : i32
    %dma_wait3A_69 = arith.constant 0 : i32
    %dma_wait3A_70 = tpu.memref_slice %arg3[%dma_wait3A_68, %dma_wait3A_69] : memref<131072x128xf32, #tpu.memory_space<hbm>> -> memref<131072x128xf32, #tpu.memory_space<hbm>>
    tpu.wait_indirect_dma semaphore(%arg17 : memref<!tpu.dma_semaphore, #tpu.memory_space<semaphore_mem>>) src(%dma_wait3A_70 : memref<131072x128xf32, #tpu.memory_space<hbm>>) dst(%dma_wait3A_67 : memref<128x128xf32, #tpu.memory_space<vmem>>)
    %add3A_71 = arith.constant 128 : i32
    %add3A_72 = arith.addi %mul3A_2, %add3A_71 : i32
    "tpu.region"() ({
      %run_scoped3A = tpu.sem_alloc : memref<!tpu.dma_semaphore, #tpu.memory_space<semaphore_mem>>
      %dma_start3A_281 = tpu.memref_slice %arg7[%add3A_72] : memref<16384xi32, #tpu.memory_space<hbm>> -> memref<128xi32, #tpu.memory_space<hbm>>
      %dma_start3A_282 = tpu.memref_slice %arg7[%add3A_72] : memref<16384xi32, #tpu.memory_space<hbm>> -> memref<128xi32, #tpu.memory_space<hbm>>
      tpu.enqueue_dma source(%dma_start3A_282 : memref<128xi32, #tpu.memory_space<hbm>>) target(%arg15 : memref<128xi32, #tpu.memory_space<vmem>>) target_semaphore(%run_scoped3A : memref<!tpu.dma_semaphore, #tpu.memory_space<semaphore_mem>>)
      %dma_wait3A_283 = tpu.memref_slice %arg7[%add3A_72] : memref<16384xi32, #tpu.memory_space<hbm>> -> memref<128xi32, #tpu.memory_space<hbm>>
      %dma_wait3A_284 = tpu.memref_slice %arg7[%add3A_72] : memref<16384xi32, #tpu.memory_space<hbm>> -> memref<128xi32, #tpu.memory_space<hbm>>
      tpu.wait_dma2 semaphore(%run_scoped3A : memref<!tpu.dma_semaphore, #tpu.memory_space<semaphore_mem>>) src(%dma_wait3A_284 : memref<128xi32, #tpu.memory_space<hbm>>) dst(%arg15 : memref<128xi32, #tpu.memory_space<vmem>>)
      tpu.yield
    }) : () -> ()
    %dma_start3A_73 = arith.constant 128 : i32
    %dma_start3A_74 = arith.constant 0 : i32
    %dma_start3A_75 = tpu.memref_slice %arg16[%dma_start3A_73, %dma_start3A_74] : memref<512x128xf32, #tpu.memory_space<vmem>> -> memref<128x128xf32, #tpu.memory_space<vmem>>
    %dma_start3A_76 = arith.constant 0 : i32
    %dma_start3A_77 = arith.constant 0 : i32
    %dma_start3A_78 = tpu.memref_slice %arg3[%dma_start3A_76, %dma_start3A_77] : memref<131072x128xf32, #tpu.memory_space<hbm>> -> memref<131072x128xf32, #tpu.memory_space<hbm>>
    tpu.enqueue_indirect_dma source(%dma_start3A_78 : memref<131072x128xf32, #tpu.memory_space<hbm>>) target(%dma_start3A_75 : memref<128x128xf32, #tpu.memory_space<vmem>>) offsets(%arg15 : memref<128xi32, #tpu.memory_space<vmem>>) semaphore(%arg17 : memref<!tpu.dma_semaphore, #tpu.memory_space<semaphore_mem>>)
    %dma_wait3A_79 = arith.constant 128 : i32
    %dma_wait3A_80 = arith.constant 0 : i32
    %dma_wait3A_81 = tpu.memref_slice %arg16[%dma_wait3A_79, %dma_wait3A_80] : memref<512x128xf32, #tpu.memory_space<vmem>> -> memref<128x128xf32, #tpu.memory_space<vmem>>
    %dma_wait3A_82 = arith.constant 0 : i32
    %dma_wait3A_83 = arith.constant 0 : i32
    %dma_wait3A_84 = tpu.memref_slice %arg3[%dma_wait3A_82, %dma_wait3A_83] : memref<131072x128xf32, #tpu.memory_space<hbm>> -> memref<131072x128xf32, #tpu.memory_space<hbm>>
    tpu.wait_indirect_dma semaphore(%arg17 : memref<!tpu.dma_semaphore, #tpu.memory_space<semaphore_mem>>) src(%dma_wait3A_84 : memref<131072x128xf32, #tpu.memory_space<hbm>>) dst(%dma_wait3A_81 : memref<128x128xf32, #tpu.memory_space<vmem>>)
    %add3A_85 = arith.constant 256 : i32
    %add3A_86 = arith.addi %mul3A_2, %add3A_85 : i32
    "tpu.region"() ({
      %run_scoped3A = tpu.sem_alloc : memref<!tpu.dma_semaphore, #tpu.memory_space<semaphore_mem>>
      %dma_start3A_281 = tpu.memref_slice %arg7[%add3A_86] : memref<16384xi32, #tpu.memory_space<hbm>> -> memref<128xi32, #tpu.memory_space<hbm>>
      %dma_start3A_282 = tpu.memref_slice %arg7[%add3A_86] : memref<16384xi32, #tpu.memory_space<hbm>> -> memref<128xi32, #tpu.memory_space<hbm>>
      tpu.enqueue_dma source(%dma_start3A_282 : memref<128xi32, #tpu.memory_space<hbm>>) target(%arg15 : memref<128xi32, #tpu.memory_space<vmem>>) target_semaphore(%run_scoped3A : memref<!tpu.dma_semaphore, #tpu.memory_space<semaphore_mem>>)
      %dma_wait3A_283 = tpu.memref_slice %arg7[%add3A_86] : memref<16384xi32, #tpu.memory_space<hbm>> -> memref<128xi32, #tpu.memory_space<hbm>>
      %dma_wait3A_284 = tpu.memref_slice %arg7[%add3A_86] : memref<16384xi32, #tpu.memory_space<hbm>> -> memref<128xi32, #tpu.memory_space<hbm>>
      tpu.wait_dma2 semaphore(%run_scoped3A : memref<!tpu.dma_semaphore, #tpu.memory_space<semaphore_mem>>) src(%dma_wait3A_284 : memref<128xi32, #tpu.memory_space<hbm>>) dst(%arg15 : memref<128xi32, #tpu.memory_space<vmem>>)
      tpu.yield
    }) : () -> ()
    %dma_start3A_87 = arith.constant 256 : i32
    %dma_start3A_88 = arith.constant 0 : i32
    %dma_start3A_89 = tpu.memref_slice %arg16[%dma_start3A_87, %dma_start3A_88] : memref<512x128xf32, #tpu.memory_space<vmem>> -> memref<128x128xf32, #tpu.memory_space<vmem>>
    %dma_start3A_90 = arith.constant 0 : i32
    %dma_start3A_91 = arith.constant 0 : i32
    %dma_start3A_92 = tpu.memref_slice %arg3[%dma_start3A_90, %dma_start3A_91] : memref<131072x128xf32, #tpu.memory_space<hbm>> -> memref<131072x128xf32, #tpu.memory_space<hbm>>
    tpu.enqueue_indirect_dma source(%dma_start3A_92 : memref<131072x128xf32, #tpu.memory_space<hbm>>) target(%dma_start3A_89 : memref<128x128xf32, #tpu.memory_space<vmem>>) offsets(%arg15 : memref<128xi32, #tpu.memory_space<vmem>>) semaphore(%arg17 : memref<!tpu.dma_semaphore, #tpu.memory_space<semaphore_mem>>)
    %dma_wait3A_93 = arith.constant 256 : i32
    %dma_wait3A_94 = arith.constant 0 : i32
    %dma_wait3A_95 = tpu.memref_slice %arg16[%dma_wait3A_93, %dma_wait3A_94] : memref<512x128xf32, #tpu.memory_space<vmem>> -> memref<128x128xf32, #tpu.memory_space<vmem>>
    %dma_wait3A_96 = arith.constant 0 : i32
    %dma_wait3A_97 = arith.constant 0 : i32
    %dma_wait3A_98 = tpu.memref_slice %arg3[%dma_wait3A_96, %dma_wait3A_97] : memref<131072x128xf32, #tpu.memory_space<hbm>> -> memref<131072x128xf32, #tpu.memory_space<hbm>>
    tpu.wait_indirect_dma semaphore(%arg17 : memref<!tpu.dma_semaphore, #tpu.memory_space<semaphore_mem>>) src(%dma_wait3A_98 : memref<131072x128xf32, #tpu.memory_space<hbm>>) dst(%dma_wait3A_95 : memref<128x128xf32, #tpu.memory_space<vmem>>)
    %add3A_99 = arith.constant 384 : i32
    %add3A_100 = arith.addi %mul3A_2, %add3A_99 : i32
    "tpu.region"() ({
      %run_scoped3A = tpu.sem_alloc : memref<!tpu.dma_semaphore, #tpu.memory_space<semaphore_mem>>
      %dma_start3A_281 = tpu.memref_slice %arg7[%add3A_100] : memref<16384xi32, #tpu.memory_space<hbm>> -> memref<128xi32, #tpu.memory_space<hbm>>
      %dma_start3A_282 = tpu.memref_slice %arg7[%add3A_100] : memref<16384xi32, #tpu.memory_space<hbm>> -> memref<128xi32, #tpu.memory_space<hbm>>
      tpu.enqueue_dma source(%dma_start3A_282 : memref<128xi32, #tpu.memory_space<hbm>>) target(%arg15 : memref<128xi32, #tpu.memory_space<vmem>>) target_semaphore(%run_scoped3A : memref<!tpu.dma_semaphore, #tpu.memory_space<semaphore_mem>>)
      %dma_wait3A_283 = tpu.memref_slice %arg7[%add3A_100] : memref<16384xi32, #tpu.memory_space<hbm>> -> memref<128xi32, #tpu.memory_space<hbm>>
      %dma_wait3A_284 = tpu.memref_slice %arg7[%add3A_100] : memref<16384xi32, #tpu.memory_space<hbm>> -> memref<128xi32, #tpu.memory_space<hbm>>
      tpu.wait_dma2 semaphore(%run_scoped3A : memref<!tpu.dma_semaphore, #tpu.memory_space<semaphore_mem>>) src(%dma_wait3A_284 : memref<128xi32, #tpu.memory_space<hbm>>) dst(%arg15 : memref<128xi32, #tpu.memory_space<vmem>>)
      tpu.yield
    }) : () -> ()
    %dma_start3A_101 = arith.constant 384 : i32
    %dma_start3A_102 = arith.constant 0 : i32
    %dma_start3A_103 = tpu.memref_slice %arg16[%dma_start3A_101, %dma_start3A_102] : memref<512x128xf32, #tpu.memory_space<vmem>> -> memref<128x128xf32, #tpu.memory_space<vmem>>
    %dma_start3A_104 = arith.constant 0 : i32
    %dma_start3A_105 = arith.constant 0 : i32
    %dma_start3A_106 = tpu.memref_slice %arg3[%dma_start3A_104, %dma_start3A_105] : memref<131072x128xf32, #tpu.memory_space<hbm>> -> memref<131072x128xf32, #tpu.memory_space<hbm>>
    tpu.enqueue_indirect_dma source(%dma_start3A_106 : memref<131072x128xf32, #tpu.memory_space<hbm>>) target(%dma_start3A_103 : memref<128x128xf32, #tpu.memory_space<vmem>>) offsets(%arg15 : memref<128xi32, #tpu.memory_space<vmem>>) semaphore(%arg17 : memref<!tpu.dma_semaphore, #tpu.memory_space<semaphore_mem>>)
    %dma_wait3A_107 = arith.constant 384 : i32
    %dma_wait3A_108 = arith.constant 0 : i32
    %dma_wait3A_109 = tpu.memref_slice %arg16[%dma_wait3A_107, %dma_wait3A_108] : memref<512x128xf32, #tpu.memory_space<vmem>> -> memref<128x128xf32, #tpu.memory_space<vmem>>
    %dma_wait3A_110 = arith.constant 0 : i32
    %dma_wait3A_111 = arith.constant 0 : i32
    %dma_wait3A_112 = tpu.memref_slice %arg3[%dma_wait3A_110, %dma_wait3A_111] : memref<131072x128xf32, #tpu.memory_space<hbm>> -> memref<131072x128xf32, #tpu.memory_space<hbm>>
    tpu.wait_indirect_dma semaphore(%arg17 : memref<!tpu.dma_semaphore, #tpu.memory_space<semaphore_mem>>) src(%dma_wait3A_112 : memref<131072x128xf32, #tpu.memory_space<hbm>>) dst(%dma_wait3A_109 : memref<128x128xf32, #tpu.memory_space<vmem>>)
    "tpu.region"() ({
      %run_scoped3A = tpu.sem_alloc : memref<!tpu.dma_semaphore, #tpu.memory_space<semaphore_mem>>
      %dma_start3A_281 = arith.constant 0 : i32
      %dma_start3A_282 = tpu.memref_slice %arg11[%mul3A_2, %dma_start3A_281] : memref<16384x128xf32, #tpu.memory_space<hbm>> -> memref<512x128xf32, #tpu.memory_space<hbm>>
      %dma_start3A_283 = arith.constant 0 : i32
      %dma_start3A_284 = tpu.memref_slice %arg11[%mul3A_2, %dma_start3A_283] : memref<16384x128xf32, #tpu.memory_space<hbm>> -> memref<512x128xf32, #tpu.memory_space<hbm>>
      tpu.enqueue_dma source(%arg16 : memref<512x128xf32, #tpu.memory_space<vmem>>) target(%dma_start3A_284 : memref<512x128xf32, #tpu.memory_space<hbm>>) target_semaphore(%run_scoped3A : memref<!tpu.dma_semaphore, #tpu.memory_space<semaphore_mem>>)
      %dma_wait3A_285 = arith.constant 0 : i32
      %dma_wait3A_286 = tpu.memref_slice %arg11[%mul3A_2, %dma_wait3A_285] : memref<16384x128xf32, #tpu.memory_space<hbm>> -> memref<512x128xf32, #tpu.memory_space<hbm>>
      %dma_wait3A_287 = arith.constant 0 : i32
      %dma_wait3A_288 = tpu.memref_slice %arg11[%mul3A_2, %dma_wait3A_287] : memref<16384x128xf32, #tpu.memory_space<hbm>> -> memref<512x128xf32, #tpu.memory_space<hbm>>
      tpu.wait_dma2 semaphore(%run_scoped3A : memref<!tpu.dma_semaphore, #tpu.memory_space<semaphore_mem>>) src(%arg16 : memref<512x128xf32, #tpu.memory_space<vmem>>) dst(%dma_wait3A_288 : memref<512x128xf32, #tpu.memory_space<hbm>>)
      tpu.yield
    }) : () -> ()
    %add3A_113 = arith.constant 0 : i32
    %add3A_114 = arith.addi %mul3A_2, %add3A_113 : i32
    "tpu.region"() ({
      %run_scoped3A = tpu.sem_alloc : memref<!tpu.dma_semaphore, #tpu.memory_space<semaphore_mem>>
      %dma_start3A_281 = tpu.memref_slice %arg8[%add3A_114] : memref<16384xi32, #tpu.memory_space<hbm>> -> memref<128xi32, #tpu.memory_space<hbm>>
      %dma_start3A_282 = tpu.memref_slice %arg8[%add3A_114] : memref<16384xi32, #tpu.memory_space<hbm>> -> memref<128xi32, #tpu.memory_space<hbm>>
      tpu.enqueue_dma source(%dma_start3A_282 : memref<128xi32, #tpu.memory_space<hbm>>) target(%arg15 : memref<128xi32, #tpu.memory_space<vmem>>) target_semaphore(%run_scoped3A : memref<!tpu.dma_semaphore, #tpu.memory_space<semaphore_mem>>)
      %dma_wait3A_283 = tpu.memref_slice %arg8[%add3A_114] : memref<16384xi32, #tpu.memory_space<hbm>> -> memref<128xi32, #tpu.memory_space<hbm>>
      %dma_wait3A_284 = tpu.memref_slice %arg8[%add3A_114] : memref<16384xi32, #tpu.memory_space<hbm>> -> memref<128xi32, #tpu.memory_space<hbm>>
      tpu.wait_dma2 semaphore(%run_scoped3A : memref<!tpu.dma_semaphore, #tpu.memory_space<semaphore_mem>>) src(%dma_wait3A_284 : memref<128xi32, #tpu.memory_space<hbm>>) dst(%arg15 : memref<128xi32, #tpu.memory_space<vmem>>)
      tpu.yield
    }) : () -> ()
    %dma_start3A_115 = arith.constant 0 : i32
    %dma_start3A_116 = arith.constant 0 : i32
    %dma_start3A_117 = tpu.memref_slice %arg16[%dma_start3A_115, %dma_start3A_116] : memref<512x128xf32, #tpu.memory_space<vmem>> -> memref<128x128xf32, #tpu.memory_space<vmem>>
    %dma_start3A_118 = arith.constant 0 : i32
    %dma_start3A_119 = arith.constant 0 : i32
    %dma_start3A_120 = tpu.memref_slice %arg4[%dma_start3A_118, %dma_start3A_119] : memref<131072x128xf32, #tpu.memory_space<hbm>> -> memref<131072x128xf32, #tpu.memory_space<hbm>>
    tpu.enqueue_indirect_dma source(%dma_start3A_120 : memref<131072x128xf32, #tpu.memory_space<hbm>>) target(%dma_start3A_117 : memref<128x128xf32, #tpu.memory_space<vmem>>) offsets(%arg15 : memref<128xi32, #tpu.memory_space<vmem>>) semaphore(%arg17 : memref<!tpu.dma_semaphore, #tpu.memory_space<semaphore_mem>>)
    %dma_wait3A_121 = arith.constant 0 : i32
    %dma_wait3A_122 = arith.constant 0 : i32
    %dma_wait3A_123 = tpu.memref_slice %arg16[%dma_wait3A_121, %dma_wait3A_122] : memref<512x128xf32, #tpu.memory_space<vmem>> -> memref<128x128xf32, #tpu.memory_space<vmem>>
    %dma_wait3A_124 = arith.constant 0 : i32
    %dma_wait3A_125 = arith.constant 0 : i32
    %dma_wait3A_126 = tpu.memref_slice %arg4[%dma_wait3A_124, %dma_wait3A_125] : memref<131072x128xf32, #tpu.memory_space<hbm>> -> memref<131072x128xf32, #tpu.memory_space<hbm>>
    tpu.wait_indirect_dma semaphore(%arg17 : memref<!tpu.dma_semaphore, #tpu.memory_space<semaphore_mem>>) src(%dma_wait3A_126 : memref<131072x128xf32, #tpu.memory_space<hbm>>) dst(%dma_wait3A_123 : memref<128x128xf32, #tpu.memory_space<vmem>>)
    %add3A_127 = arith.constant 128 : i32
    %add3A_128 = arith.addi %mul3A_2, %add3A_127 : i32
    "tpu.region"() ({
      %run_scoped3A = tpu.sem_alloc : memref<!tpu.dma_semaphore, #tpu.memory_space<semaphore_mem>>
      %dma_start3A_281 = tpu.memref_slice %arg8[%add3A_128] : memref<16384xi32, #tpu.memory_space<hbm>> -> memref<128xi32, #tpu.memory_space<hbm>>
      %dma_start3A_282 = tpu.memref_slice %arg8[%add3A_128] : memref<16384xi32, #tpu.memory_space<hbm>> -> memref<128xi32, #tpu.memory_space<hbm>>
      tpu.enqueue_dma source(%dma_start3A_282 : memref<128xi32, #tpu.memory_space<hbm>>) target(%arg15 : memref<128xi32, #tpu.memory_space<vmem>>) target_semaphore(%run_scoped3A : memref<!tpu.dma_semaphore, #tpu.memory_space<semaphore_mem>>)
      %dma_wait3A_283 = tpu.memref_slice %arg8[%add3A_128] : memref<16384xi32, #tpu.memory_space<hbm>> -> memref<128xi32, #tpu.memory_space<hbm>>
      %dma_wait3A_284 = tpu.memref_slice %arg8[%add3A_128] : memref<16384xi32, #tpu.memory_space<hbm>> -> memref<128xi32, #tpu.memory_space<hbm>>
      tpu.wait_dma2 semaphore(%run_scoped3A : memref<!tpu.dma_semaphore, #tpu.memory_space<semaphore_mem>>) src(%dma_wait3A_284 : memref<128xi32, #tpu.memory_space<hbm>>) dst(%arg15 : memref<128xi32, #tpu.memory_space<vmem>>)
      tpu.yield
    }) : () -> ()
    %dma_start3A_129 = arith.constant 128 : i32
    %dma_start3A_130 = arith.constant 0 : i32
    %dma_start3A_131 = tpu.memref_slice %arg16[%dma_start3A_129, %dma_start3A_130] : memref<512x128xf32, #tpu.memory_space<vmem>> -> memref<128x128xf32, #tpu.memory_space<vmem>>
    %dma_start3A_132 = arith.constant 0 : i32
    %dma_start3A_133 = arith.constant 0 : i32
    %dma_start3A_134 = tpu.memref_slice %arg4[%dma_start3A_132, %dma_start3A_133] : memref<131072x128xf32, #tpu.memory_space<hbm>> -> memref<131072x128xf32, #tpu.memory_space<hbm>>
    tpu.enqueue_indirect_dma source(%dma_start3A_134 : memref<131072x128xf32, #tpu.memory_space<hbm>>) target(%dma_start3A_131 : memref<128x128xf32, #tpu.memory_space<vmem>>) offsets(%arg15 : memref<128xi32, #tpu.memory_space<vmem>>) semaphore(%arg17 : memref<!tpu.dma_semaphore, #tpu.memory_space<semaphore_mem>>)
    %dma_wait3A_135 = arith.constant 128 : i32
    %dma_wait3A_136 = arith.constant 0 : i32
    %dma_wait3A_137 = tpu.memref_slice %arg16[%dma_wait3A_135, %dma_wait3A_136] : memref<512x128xf32, #tpu.memory_space<vmem>> -> memref<128x128xf32, #tpu.memory_space<vmem>>
    %dma_wait3A_138 = arith.constant 0 : i32
    %dma_wait3A_139 = arith.constant 0 : i32
    %dma_wait3A_140 = tpu.memref_slice %arg4[%dma_wait3A_138, %dma_wait3A_139] : memref<131072x128xf32, #tpu.memory_space<hbm>> -> memref<131072x128xf32, #tpu.memory_space<hbm>>
    tpu.wait_indirect_dma semaphore(%arg17 : memref<!tpu.dma_semaphore, #tpu.memory_space<semaphore_mem>>) src(%dma_wait3A_140 : memref<131072x128xf32, #tpu.memory_space<hbm>>) dst(%dma_wait3A_137 : memref<128x128xf32, #tpu.memory_space<vmem>>)
    %add3A_141 = arith.constant 256 : i32
    %add3A_142 = arith.addi %mul3A_2, %add3A_141 : i32
    "tpu.region"() ({
      %run_scoped3A = tpu.sem_alloc : memref<!tpu.dma_semaphore, #tpu.memory_space<semaphore_mem>>
      %dma_start3A_281 = tpu.memref_slice %arg8[%add3A_142] : memref<16384xi32, #tpu.memory_space<hbm>> -> memref<128xi32, #tpu.memory_space<hbm>>
      %dma_start3A_282 = tpu.memref_slice %arg8[%add3A_142] : memref<16384xi32, #tpu.memory_space<hbm>> -> memref<128xi32, #tpu.memory_space<hbm>>
      tpu.enqueue_dma source(%dma_start3A_282 : memref<128xi32, #tpu.memory_space<hbm>>) target(%arg15 : memref<128xi32, #tpu.memory_space<vmem>>) target_semaphore(%run_scoped3A : memref<!tpu.dma_semaphore, #tpu.memory_space<semaphore_mem>>)
      %dma_wait3A_283 = tpu.memref_slice %arg8[%add3A_142] : memref<16384xi32, #tpu.memory_space<hbm>> -> memref<128xi32, #tpu.memory_space<hbm>>
      %dma_wait3A_284 = tpu.memref_slice %arg8[%add3A_142] : memref<16384xi32, #tpu.memory_space<hbm>> -> memref<128xi32, #tpu.memory_space<hbm>>
      tpu.wait_dma2 semaphore(%run_scoped3A : memref<!tpu.dma_semaphore, #tpu.memory_space<semaphore_mem>>) src(%dma_wait3A_284 : memref<128xi32, #tpu.memory_space<hbm>>) dst(%arg15 : memref<128xi32, #tpu.memory_space<vmem>>)
      tpu.yield
    }) : () -> ()
    %dma_start3A_143 = arith.constant 256 : i32
    %dma_start3A_144 = arith.constant 0 : i32
    %dma_start3A_145 = tpu.memref_slice %arg16[%dma_start3A_143, %dma_start3A_144] : memref<512x128xf32, #tpu.memory_space<vmem>> -> memref<128x128xf32, #tpu.memory_space<vmem>>
    %dma_start3A_146 = arith.constant 0 : i32
    %dma_start3A_147 = arith.constant 0 : i32
    %dma_start3A_148 = tpu.memref_slice %arg4[%dma_start3A_146, %dma_start3A_147] : memref<131072x128xf32, #tpu.memory_space<hbm>> -> memref<131072x128xf32, #tpu.memory_space<hbm>>
    tpu.enqueue_indirect_dma source(%dma_start3A_148 : memref<131072x128xf32, #tpu.memory_space<hbm>>) target(%dma_start3A_145 : memref<128x128xf32, #tpu.memory_space<vmem>>) offsets(%arg15 : memref<128xi32, #tpu.memory_space<vmem>>) semaphore(%arg17 : memref<!tpu.dma_semaphore, #tpu.memory_space<semaphore_mem>>)
    %dma_wait3A_149 = arith.constant 256 : i32
    %dma_wait3A_150 = arith.constant 0 : i32
    %dma_wait3A_151 = tpu.memref_slice %arg16[%dma_wait3A_149, %dma_wait3A_150] : memref<512x128xf32, #tpu.memory_space<vmem>> -> memref<128x128xf32, #tpu.memory_space<vmem>>
    %dma_wait3A_152 = arith.constant 0 : i32
    %dma_wait3A_153 = arith.constant 0 : i32
    %dma_wait3A_154 = tpu.memref_slice %arg4[%dma_wait3A_152, %dma_wait3A_153] : memref<131072x128xf32, #tpu.memory_space<hbm>> -> memref<131072x128xf32, #tpu.memory_space<hbm>>
    tpu.wait_indirect_dma semaphore(%arg17 : memref<!tpu.dma_semaphore, #tpu.memory_space<semaphore_mem>>) src(%dma_wait3A_154 : memref<131072x128xf32, #tpu.memory_space<hbm>>) dst(%dma_wait3A_151 : memref<128x128xf32, #tpu.memory_space<vmem>>)
    %add3A_155 = arith.constant 384 : i32
    %add3A_156 = arith.addi %mul3A_2, %add3A_155 : i32
    "tpu.region"() ({
      %run_scoped3A = tpu.sem_alloc : memref<!tpu.dma_semaphore, #tpu.memory_space<semaphore_mem>>
      %dma_start3A_281 = tpu.memref_slice %arg8[%add3A_156] : memref<16384xi32, #tpu.memory_space<hbm>> -> memref<128xi32, #tpu.memory_space<hbm>>
      %dma_start3A_282 = tpu.memref_slice %arg8[%add3A_156] : memref<16384xi32, #tpu.memory_space<hbm>> -> memref<128xi32, #tpu.memory_space<hbm>>
      tpu.enqueue_dma source(%dma_start3A_282 : memref<128xi32, #tpu.memory_space<hbm>>) target(%arg15 : memref<128xi32, #tpu.memory_space<vmem>>) target_semaphore(%run_scoped3A : memref<!tpu.dma_semaphore, #tpu.memory_space<semaphore_mem>>)
      %dma_wait3A_283 = tpu.memref_slice %arg8[%add3A_156] : memref<16384xi32, #tpu.memory_space<hbm>> -> memref<128xi32, #tpu.memory_space<hbm>>
      %dma_wait3A_284 = tpu.memref_slice %arg8[%add3A_156] : memref<16384xi32, #tpu.memory_space<hbm>> -> memref<128xi32, #tpu.memory_space<hbm>>
      tpu.wait_dma2 semaphore(%run_scoped3A : memref<!tpu.dma_semaphore, #tpu.memory_space<semaphore_mem>>) src(%dma_wait3A_284 : memref<128xi32, #tpu.memory_space<hbm>>) dst(%arg15 : memref<128xi32, #tpu.memory_space<vmem>>)
      tpu.yield
    }) : () -> ()
    %dma_start3A_157 = arith.constant 384 : i32
    %dma_start3A_158 = arith.constant 0 : i32
    %dma_start3A_159 = tpu.memref_slice %arg16[%dma_start3A_157, %dma_start3A_158] : memref<512x128xf32, #tpu.memory_space<vmem>> -> memref<128x128xf32, #tpu.memory_space<vmem>>
    %dma_start3A_160 = arith.constant 0 : i32
    %dma_start3A_161 = arith.constant 0 : i32
    %dma_start3A_162 = tpu.memref_slice %arg4[%dma_start3A_160, %dma_start3A_161] : memref<131072x128xf32, #tpu.memory_space<hbm>> -> memref<131072x128xf32, #tpu.memory_space<hbm>>
    tpu.enqueue_indirect_dma source(%dma_start3A_162 : memref<131072x128xf32, #tpu.memory_space<hbm>>) target(%dma_start3A_159 : memref<128x128xf32, #tpu.memory_space<vmem>>) offsets(%arg15 : memref<128xi32, #tpu.memory_space<vmem>>) semaphore(%arg17 : memref<!tpu.dma_semaphore, #tpu.memory_space<semaphore_mem>>)
    %dma_wait3A_163 = arith.constant 384 : i32
    %dma_wait3A_164 = arith.constant 0 : i32
    %dma_wait3A_165 = tpu.memref_slice %arg16[%dma_wait3A_163, %dma_wait3A_164] : memref<512x128xf32, #tpu.memory_space<vmem>> -> memref<128x128xf32, #tpu.memory_space<vmem>>
    %dma_wait3A_166 = arith.constant 0 : i32
    %dma_wait3A_167 = arith.constant 0 : i32
    %dma_wait3A_168 = tpu.memref_slice %arg4[%dma_wait3A_166, %dma_wait3A_167] : memref<131072x128xf32, #tpu.memory_space<hbm>> -> memref<131072x128xf32, #tpu.memory_space<hbm>>
    tpu.wait_indirect_dma semaphore(%arg17 : memref<!tpu.dma_semaphore, #tpu.memory_space<semaphore_mem>>) src(%dma_wait3A_168 : memref<131072x128xf32, #tpu.memory_space<hbm>>) dst(%dma_wait3A_165 : memref<128x128xf32, #tpu.memory_space<vmem>>)
    "tpu.region"() ({
      %run_scoped3A = tpu.sem_alloc : memref<!tpu.dma_semaphore, #tpu.memory_space<semaphore_mem>>
      %dma_start3A_281 = arith.constant 0 : i32
      %dma_start3A_282 = tpu.memref_slice %arg12[%mul3A_2, %dma_start3A_281] : memref<16384x128xf32, #tpu.memory_space<hbm>> -> memref<512x128xf32, #tpu.memory_space<hbm>>
      %dma_start3A_283 = arith.constant 0 : i32
      %dma_start3A_284 = tpu.memref_slice %arg12[%mul3A_2, %dma_start3A_283] : memref<16384x128xf32, #tpu.memory_space<hbm>> -> memref<512x128xf32, #tpu.memory_space<hbm>>
      tpu.enqueue_dma source(%arg16 : memref<512x128xf32, #tpu.memory_space<vmem>>) target(%dma_start3A_284 : memref<512x128xf32, #tpu.memory_space<hbm>>) target_semaphore(%run_scoped3A : memref<!tpu.dma_semaphore, #tpu.memory_space<semaphore_mem>>)
      %dma_wait3A_285 = arith.constant 0 : i32
      %dma_wait3A_286 = tpu.memref_slice %arg12[%mul3A_2, %dma_wait3A_285] : memref<16384x128xf32, #tpu.memory_space<hbm>> -> memref<512x128xf32, #tpu.memory_space<hbm>>
      %dma_wait3A_287 = arith.constant 0 : i32
      %dma_wait3A_288 = tpu.memref_slice %arg12[%mul3A_2, %dma_wait3A_287] : memref<16384x128xf32, #tpu.memory_space<hbm>> -> memref<512x128xf32, #tpu.memory_space<hbm>>
      tpu.wait_dma2 semaphore(%run_scoped3A : memref<!tpu.dma_semaphore, #tpu.memory_space<semaphore_mem>>) src(%arg16 : memref<512x128xf32, #tpu.memory_space<vmem>>) dst(%dma_wait3A_288 : memref<512x128xf32, #tpu.memory_space<hbm>>)
      tpu.yield
    }) : () -> ()
    %add3A_169 = arith.constant 0 : i32
    %add3A_170 = arith.addi %mul3A_2, %add3A_169 : i32
    "tpu.region"() ({
      %run_scoped3A = tpu.sem_alloc : memref<!tpu.dma_semaphore, #tpu.memory_space<semaphore_mem>>
      %dma_start3A_281 = tpu.memref_slice %arg8[%add3A_170] : memref<16384xi32, #tpu.memory_space<hbm>> -> memref<128xi32, #tpu.memory_space<hbm>>
      %dma_start3A_282 = tpu.memref_slice %arg8[%add3A_170] : memref<16384xi32, #tpu.memory_space<hbm>> -> memref<128xi32, #tpu.memory_space<hbm>>
      tpu.enqueue_dma source(%dma_start3A_282 : memref<128xi32, #tpu.memory_space<hbm>>) target(%arg15 : memref<128xi32, #tpu.memory_space<vmem>>) target_semaphore(%run_scoped3A : memref<!tpu.dma_semaphore, #tpu.memory_space<semaphore_mem>>)
      %dma_wait3A_283 = tpu.memref_slice %arg8[%add3A_170] : memref<16384xi32, #tpu.memory_space<hbm>> -> memref<128xi32, #tpu.memory_space<hbm>>
      %dma_wait3A_284 = tpu.memref_slice %arg8[%add3A_170] : memref<16384xi32, #tpu.memory_space<hbm>> -> memref<128xi32, #tpu.memory_space<hbm>>
      tpu.wait_dma2 semaphore(%run_scoped3A : memref<!tpu.dma_semaphore, #tpu.memory_space<semaphore_mem>>) src(%dma_wait3A_284 : memref<128xi32, #tpu.memory_space<hbm>>) dst(%arg15 : memref<128xi32, #tpu.memory_space<vmem>>)
      tpu.yield
    }) : () -> ()
    %dma_start3A_171 = arith.constant 0 : i32
    %dma_start3A_172 = arith.constant 0 : i32
    %dma_start3A_173 = tpu.memref_slice %arg16[%dma_start3A_171, %dma_start3A_172] : memref<512x128xf32, #tpu.memory_space<vmem>> -> memref<128x128xf32, #tpu.memory_space<vmem>>
    %dma_start3A_174 = arith.constant 0 : i32
    %dma_start3A_175 = arith.constant 0 : i32
    %dma_start3A_176 = tpu.memref_slice %arg5[%dma_start3A_174, %dma_start3A_175] : memref<131072x128xf32, #tpu.memory_space<hbm>> -> memref<131072x128xf32, #tpu.memory_space<hbm>>
    tpu.enqueue_indirect_dma source(%dma_start3A_176 : memref<131072x128xf32, #tpu.memory_space<hbm>>) target(%dma_start3A_173 : memref<128x128xf32, #tpu.memory_space<vmem>>) offsets(%arg15 : memref<128xi32, #tpu.memory_space<vmem>>) semaphore(%arg17 : memref<!tpu.dma_semaphore, #tpu.memory_space<semaphore_mem>>)
    %dma_wait3A_177 = arith.constant 0 : i32
    %dma_wait3A_178 = arith.constant 0 : i32
    %dma_wait3A_179 = tpu.memref_slice %arg16[%dma_wait3A_177, %dma_wait3A_178] : memref<512x128xf32, #tpu.memory_space<vmem>> -> memref<128x128xf32, #tpu.memory_space<vmem>>
    %dma_wait3A_180 = arith.constant 0 : i32
    %dma_wait3A_181 = arith.constant 0 : i32
    %dma_wait3A_182 = tpu.memref_slice %arg5[%dma_wait3A_180, %dma_wait3A_181] : memref<131072x128xf32, #tpu.memory_space<hbm>> -> memref<131072x128xf32, #tpu.memory_space<hbm>>
    tpu.wait_indirect_dma semaphore(%arg17 : memref<!tpu.dma_semaphore, #tpu.memory_space<semaphore_mem>>) src(%dma_wait3A_182 : memref<131072x128xf32, #tpu.memory_space<hbm>>) dst(%dma_wait3A_179 : memref<128x128xf32, #tpu.memory_space<vmem>>)
    %add3A_183 = arith.constant 128 : i32
    %add3A_184 = arith.addi %mul3A_2, %add3A_183 : i32
    "tpu.region"() ({
      %run_scoped3A = tpu.sem_alloc : memref<!tpu.dma_semaphore, #tpu.memory_space<semaphore_mem>>
      %dma_start3A_281 = tpu.memref_slice %arg8[%add3A_184] : memref<16384xi32, #tpu.memory_space<hbm>> -> memref<128xi32, #tpu.memory_space<hbm>>
      %dma_start3A_282 = tpu.memref_slice %arg8[%add3A_184] : memref<16384xi32, #tpu.memory_space<hbm>> -> memref<128xi32, #tpu.memory_space<hbm>>
      tpu.enqueue_dma source(%dma_start3A_282 : memref<128xi32, #tpu.memory_space<hbm>>) target(%arg15 : memref<128xi32, #tpu.memory_space<vmem>>) target_semaphore(%run_scoped3A : memref<!tpu.dma_semaphore, #tpu.memory_space<semaphore_mem>>)
      %dma_wait3A_283 = tpu.memref_slice %arg8[%add3A_184] : memref<16384xi32, #tpu.memory_space<hbm>> -> memref<128xi32, #tpu.memory_space<hbm>>
      %dma_wait3A_284 = tpu.memref_slice %arg8[%add3A_184] : memref<16384xi32, #tpu.memory_space<hbm>> -> memref<128xi32, #tpu.memory_space<hbm>>
      tpu.wait_dma2 semaphore(%run_scoped3A : memref<!tpu.dma_semaphore, #tpu.memory_space<semaphore_mem>>) src(%dma_wait3A_284 : memref<128xi32, #tpu.memory_space<hbm>>) dst(%arg15 : memref<128xi32, #tpu.memory_space<vmem>>)
      tpu.yield
    }) : () -> ()
    %dma_start3A_185 = arith.constant 128 : i32
    %dma_start3A_186 = arith.constant 0 : i32
    %dma_start3A_187 = tpu.memref_slice %arg16[%dma_start3A_185, %dma_start3A_186] : memref<512x128xf32, #tpu.memory_space<vmem>> -> memref<128x128xf32, #tpu.memory_space<vmem>>
    %dma_start3A_188 = arith.constant 0 : i32
    %dma_start3A_189 = arith.constant 0 : i32
    %dma_start3A_190 = tpu.memref_slice %arg5[%dma_start3A_188, %dma_start3A_189] : memref<131072x128xf32, #tpu.memory_space<hbm>> -> memref<131072x128xf32, #tpu.memory_space<hbm>>
    tpu.enqueue_indirect_dma source(%dma_start3A_190 : memref<131072x128xf32, #tpu.memory_space<hbm>>) target(%dma_start3A_187 : memref<128x128xf32, #tpu.memory_space<vmem>>) offsets(%arg15 : memref<128xi32, #tpu.memory_space<vmem>>) semaphore(%arg17 : memref<!tpu.dma_semaphore, #tpu.memory_space<semaphore_mem>>)
    %dma_wait3A_191 = arith.constant 128 : i32
    %dma_wait3A_192 = arith.constant 0 : i32
    %dma_wait3A_193 = tpu.memref_slice %arg16[%dma_wait3A_191, %dma_wait3A_192] : memref<512x128xf32, #tpu.memory_space<vmem>> -> memref<128x128xf32, #tpu.memory_space<vmem>>
    %dma_wait3A_194 = arith.constant 0 : i32
    %dma_wait3A_195 = arith.constant 0 : i32
    %dma_wait3A_196 = tpu.memref_slice %arg5[%dma_wait3A_194, %dma_wait3A_195] : memref<131072x128xf32, #tpu.memory_space<hbm>> -> memref<131072x128xf32, #tpu.memory_space<hbm>>
    tpu.wait_indirect_dma semaphore(%arg17 : memref<!tpu.dma_semaphore, #tpu.memory_space<semaphore_mem>>) src(%dma_wait3A_196 : memref<131072x128xf32, #tpu.memory_space<hbm>>) dst(%dma_wait3A_193 : memref<128x128xf32, #tpu.memory_space<vmem>>)
    %add3A_197 = arith.constant 256 : i32
    %add3A_198 = arith.addi %mul3A_2, %add3A_197 : i32
    "tpu.region"() ({
      %run_scoped3A = tpu.sem_alloc : memref<!tpu.dma_semaphore, #tpu.memory_space<semaphore_mem>>
      %dma_start3A_281 = tpu.memref_slice %arg8[%add3A_198] : memref<16384xi32, #tpu.memory_space<hbm>> -> memref<128xi32, #tpu.memory_space<hbm>>
      %dma_start3A_282 = tpu.memref_slice %arg8[%add3A_198] : memref<16384xi32, #tpu.memory_space<hbm>> -> memref<128xi32, #tpu.memory_space<hbm>>
      tpu.enqueue_dma source(%dma_start3A_282 : memref<128xi32, #tpu.memory_space<hbm>>) target(%arg15 : memref<128xi32, #tpu.memory_space<vmem>>) target_semaphore(%run_scoped3A : memref<!tpu.dma_semaphore, #tpu.memory_space<semaphore_mem>>)
      %dma_wait3A_283 = tpu.memref_slice %arg8[%add3A_198] : memref<16384xi32, #tpu.memory_space<hbm>> -> memref<128xi32, #tpu.memory_space<hbm>>
      %dma_wait3A_284 = tpu.memref_slice %arg8[%add3A_198] : memref<16384xi32, #tpu.memory_space<hbm>> -> memref<128xi32, #tpu.memory_space<hbm>>
      tpu.wait_dma2 semaphore(%run_scoped3A : memref<!tpu.dma_semaphore, #tpu.memory_space<semaphore_mem>>) src(%dma_wait3A_284 : memref<128xi32, #tpu.memory_space<hbm>>) dst(%arg15 : memref<128xi32, #tpu.memory_space<vmem>>)
      tpu.yield
    }) : () -> ()
    %dma_start3A_199 = arith.constant 256 : i32
    %dma_start3A_200 = arith.constant 0 : i32
    %dma_start3A_201 = tpu.memref_slice %arg16[%dma_start3A_199, %dma_start3A_200] : memref<512x128xf32, #tpu.memory_space<vmem>> -> memref<128x128xf32, #tpu.memory_space<vmem>>
    %dma_start3A_202 = arith.constant 0 : i32
    %dma_start3A_203 = arith.constant 0 : i32
    %dma_start3A_204 = tpu.memref_slice %arg5[%dma_start3A_202, %dma_start3A_203] : memref<131072x128xf32, #tpu.memory_space<hbm>> -> memref<131072x128xf32, #tpu.memory_space<hbm>>
    tpu.enqueue_indirect_dma source(%dma_start3A_204 : memref<131072x128xf32, #tpu.memory_space<hbm>>) target(%dma_start3A_201 : memref<128x128xf32, #tpu.memory_space<vmem>>) offsets(%arg15 : memref<128xi32, #tpu.memory_space<vmem>>) semaphore(%arg17 : memref<!tpu.dma_semaphore, #tpu.memory_space<semaphore_mem>>)
    %dma_wait3A_205 = arith.constant 256 : i32
    %dma_wait3A_206 = arith.constant 0 : i32
    %dma_wait3A_207 = tpu.memref_slice %arg16[%dma_wait3A_205, %dma_wait3A_206] : memref<512x128xf32, #tpu.memory_space<vmem>> -> memref<128x128xf32, #tpu.memory_space<vmem>>
    %dma_wait3A_208 = arith.constant 0 : i32
    %dma_wait3A_209 = arith.constant 0 : i32
    %dma_wait3A_210 = tpu.memref_slice %arg5[%dma_wait3A_208, %dma_wait3A_209] : memref<131072x128xf32, #tpu.memory_space<hbm>> -> memref<131072x128xf32, #tpu.memory_space<hbm>>
    tpu.wait_indirect_dma semaphore(%arg17 : memref<!tpu.dma_semaphore, #tpu.memory_space<semaphore_mem>>) src(%dma_wait3A_210 : memref<131072x128xf32, #tpu.memory_space<hbm>>) dst(%dma_wait3A_207 : memref<128x128xf32, #tpu.memory_space<vmem>>)
    %add3A_211 = arith.constant 384 : i32
    %add3A_212 = arith.addi %mul3A_2, %add3A_211 : i32
    "tpu.region"() ({
      %run_scoped3A = tpu.sem_alloc : memref<!tpu.dma_semaphore, #tpu.memory_space<semaphore_mem>>
      %dma_start3A_281 = tpu.memref_slice %arg8[%add3A_212] : memref<16384xi32, #tpu.memory_space<hbm>> -> memref<128xi32, #tpu.memory_space<hbm>>
      %dma_start3A_282 = tpu.memref_slice %arg8[%add3A_212] : memref<16384xi32, #tpu.memory_space<hbm>> -> memref<128xi32, #tpu.memory_space<hbm>>
      tpu.enqueue_dma source(%dma_start3A_282 : memref<128xi32, #tpu.memory_space<hbm>>) target(%arg15 : memref<128xi32, #tpu.memory_space<vmem>>) target_semaphore(%run_scoped3A : memref<!tpu.dma_semaphore, #tpu.memory_space<semaphore_mem>>)
      %dma_wait3A_283 = tpu.memref_slice %arg8[%add3A_212] : memref<16384xi32, #tpu.memory_space<hbm>> -> memref<128xi32, #tpu.memory_space<hbm>>
      %dma_wait3A_284 = tpu.memref_slice %arg8[%add3A_212] : memref<16384xi32, #tpu.memory_space<hbm>> -> memref<128xi32, #tpu.memory_space<hbm>>
      tpu.wait_dma2 semaphore(%run_scoped3A : memref<!tpu.dma_semaphore, #tpu.memory_space<semaphore_mem>>) src(%dma_wait3A_284 : memref<128xi32, #tpu.memory_space<hbm>>) dst(%arg15 : memref<128xi32, #tpu.memory_space<vmem>>)
      tpu.yield
    }) : () -> ()
    %dma_start3A_213 = arith.constant 384 : i32
    %dma_start3A_214 = arith.constant 0 : i32
    %dma_start3A_215 = tpu.memref_slice %arg16[%dma_start3A_213, %dma_start3A_214] : memref<512x128xf32, #tpu.memory_space<vmem>> -> memref<128x128xf32, #tpu.memory_space<vmem>>
    %dma_start3A_216 = arith.constant 0 : i32
    %dma_start3A_217 = arith.constant 0 : i32
    %dma_start3A_218 = tpu.memref_slice %arg5[%dma_start3A_216, %dma_start3A_217] : memref<131072x128xf32, #tpu.memory_space<hbm>> -> memref<131072x128xf32, #tpu.memory_space<hbm>>
    tpu.enqueue_indirect_dma source(%dma_start3A_218 : memref<131072x128xf32, #tpu.memory_space<hbm>>) target(%dma_start3A_215 : memref<128x128xf32, #tpu.memory_space<vmem>>) offsets(%arg15 : memref<128xi32, #tpu.memory_space<vmem>>) semaphore(%arg17 : memref<!tpu.dma_semaphore, #tpu.memory_space<semaphore_mem>>)
    %dma_wait3A_219 = arith.constant 384 : i32
    %dma_wait3A_220 = arith.constant 0 : i32
    %dma_wait3A_221 = tpu.memref_slice %arg16[%dma_wait3A_219, %dma_wait3A_220] : memref<512x128xf32, #tpu.memory_space<vmem>> -> memref<128x128xf32, #tpu.memory_space<vmem>>
    %dma_wait3A_222 = arith.constant 0 : i32
    %dma_wait3A_223 = arith.constant 0 : i32
    %dma_wait3A_224 = tpu.memref_slice %arg5[%dma_wait3A_222, %dma_wait3A_223] : memref<131072x128xf32, #tpu.memory_space<hbm>> -> memref<131072x128xf32, #tpu.memory_space<hbm>>
    tpu.wait_indirect_dma semaphore(%arg17 : memref<!tpu.dma_semaphore, #tpu.memory_space<semaphore_mem>>) src(%dma_wait3A_224 : memref<131072x128xf32, #tpu.memory_space<hbm>>) dst(%dma_wait3A_221 : memref<128x128xf32, #tpu.memory_space<vmem>>)
    "tpu.region"() ({
      %run_scoped3A = tpu.sem_alloc : memref<!tpu.dma_semaphore, #tpu.memory_space<semaphore_mem>>
      %dma_start3A_281 = arith.constant 0 : i32
      %dma_start3A_282 = tpu.memref_slice %arg13[%mul3A_2, %dma_start3A_281] : memref<16384x128xf32, #tpu.memory_space<hbm>> -> memref<512x128xf32, #tpu.memory_space<hbm>>
      %dma_start3A_283 = arith.constant 0 : i32
      %dma_start3A_284 = tpu.memref_slice %arg13[%mul3A_2, %dma_start3A_283] : memref<16384x128xf32, #tpu.memory_space<hbm>> -> memref<512x128xf32, #tpu.memory_space<hbm>>
      tpu.enqueue_dma source(%arg16 : memref<512x128xf32, #tpu.memory_space<vmem>>) target(%dma_start3A_284 : memref<512x128xf32, #tpu.memory_space<hbm>>) target_semaphore(%run_scoped3A : memref<!tpu.dma_semaphore, #tpu.memory_space<semaphore_mem>>)
      %dma_wait3A_285 = arith.constant 0 : i32
      %dma_wait3A_286 = tpu.memref_slice %arg13[%mul3A_2, %dma_wait3A_285] : memref<16384x128xf32, #tpu.memory_space<hbm>> -> memref<512x128xf32, #tpu.memory_space<hbm>>
      %dma_wait3A_287 = arith.constant 0 : i32
      %dma_wait3A_288 = tpu.memref_slice %arg13[%mul3A_2, %dma_wait3A_287] : memref<16384x128xf32, #tpu.memory_space<hbm>> -> memref<512x128xf32, #tpu.memory_space<hbm>>
      tpu.wait_dma2 semaphore(%run_scoped3A : memref<!tpu.dma_semaphore, #tpu.memory_space<semaphore_mem>>) src(%arg16 : memref<512x128xf32, #tpu.memory_space<vmem>>) dst(%dma_wait3A_288 : memref<512x128xf32, #tpu.memory_space<hbm>>)
      tpu.yield
    }) : () -> ()
    %add3A_225 = arith.constant 0 : i32
    %add3A_226 = arith.addi %mul3A_2, %add3A_225 : i32
    "tpu.region"() ({
      %run_scoped3A = tpu.sem_alloc : memref<!tpu.dma_semaphore, #tpu.memory_space<semaphore_mem>>
      %dma_start3A_281 = tpu.memref_slice %arg9[%add3A_226] : memref<16384xi32, #tpu.memory_space<hbm>> -> memref<128xi32, #tpu.memory_space<hbm>>
      %dma_start3A_282 = tpu.memref_slice %arg9[%add3A_226] : memref<16384xi32, #tpu.memory_space<hbm>> -> memref<128xi32, #tpu.memory_space<hbm>>
      tpu.enqueue_dma source(%dma_start3A_282 : memref<128xi32, #tpu.memory_space<hbm>>) target(%arg15 : memref<128xi32, #tpu.memory_space<vmem>>) target_semaphore(%run_scoped3A : memref<!tpu.dma_semaphore, #tpu.memory_space<semaphore_mem>>)
      %dma_wait3A_283 = tpu.memref_slice %arg9[%add3A_226] : memref<16384xi32, #tpu.memory_space<hbm>> -> memref<128xi32, #tpu.memory_space<hbm>>
      %dma_wait3A_284 = tpu.memref_slice %arg9[%add3A_226] : memref<16384xi32, #tpu.memory_space<hbm>> -> memref<128xi32, #tpu.memory_space<hbm>>
      tpu.wait_dma2 semaphore(%run_scoped3A : memref<!tpu.dma_semaphore, #tpu.memory_space<semaphore_mem>>) src(%dma_wait3A_284 : memref<128xi32, #tpu.memory_space<hbm>>) dst(%arg15 : memref<128xi32, #tpu.memory_space<vmem>>)
      tpu.yield
    }) : () -> ()
    %dma_start3A_227 = arith.constant 0 : i32
    %dma_start3A_228 = arith.constant 0 : i32
    %dma_start3A_229 = tpu.memref_slice %arg16[%dma_start3A_227, %dma_start3A_228] : memref<512x128xf32, #tpu.memory_space<vmem>> -> memref<128x128xf32, #tpu.memory_space<vmem>>
    %dma_start3A_230 = arith.constant 0 : i32
    %dma_start3A_231 = arith.constant 0 : i32
    %dma_start3A_232 = tpu.memref_slice %arg6[%dma_start3A_230, %dma_start3A_231] : memref<1000x128xf32, #tpu.memory_space<hbm>> -> memref<1000x128xf32, #tpu.memory_space<hbm>>
    tpu.enqueue_indirect_dma source(%dma_start3A_232 : memref<1000x128xf32, #tpu.memory_space<hbm>>) target(%dma_start3A_229 : memref<128x128xf32, #tpu.memory_space<vmem>>) offsets(%arg15 : memref<128xi32, #tpu.memory_space<vmem>>) semaphore(%arg17 : memref<!tpu.dma_semaphore, #tpu.memory_space<semaphore_mem>>)
    %dma_wait3A_233 = arith.constant 0 : i32
    %dma_wait3A_234 = arith.constant 0 : i32
    %dma_wait3A_235 = tpu.memref_slice %arg16[%dma_wait3A_233, %dma_wait3A_234] : memref<512x128xf32, #tpu.memory_space<vmem>> -> memref<128x128xf32, #tpu.memory_space<vmem>>
    %dma_wait3A_236 = arith.constant 0 : i32
    %dma_wait3A_237 = arith.constant 0 : i32
    %dma_wait3A_238 = tpu.memref_slice %arg6[%dma_wait3A_236, %dma_wait3A_237] : memref<1000x128xf32, #tpu.memory_space<hbm>> -> memref<1000x128xf32, #tpu.memory_space<hbm>>
    tpu.wait_indirect_dma semaphore(%arg17 : memref<!tpu.dma_semaphore, #tpu.memory_space<semaphore_mem>>) src(%dma_wait3A_238 : memref<1000x128xf32, #tpu.memory_space<hbm>>) dst(%dma_wait3A_235 : memref<128x128xf32, #tpu.memory_space<vmem>>)
    %add3A_239 = arith.constant 128 : i32
    %add3A_240 = arith.addi %mul3A_2, %add3A_239 : i32
    "tpu.region"() ({
      %run_scoped3A = tpu.sem_alloc : memref<!tpu.dma_semaphore, #tpu.memory_space<semaphore_mem>>
      %dma_start3A_281 = tpu.memref_slice %arg9[%add3A_240] : memref<16384xi32, #tpu.memory_space<hbm>> -> memref<128xi32, #tpu.memory_space<hbm>>
      %dma_start3A_282 = tpu.memref_slice %arg9[%add3A_240] : memref<16384xi32, #tpu.memory_space<hbm>> -> memref<128xi32, #tpu.memory_space<hbm>>
      tpu.enqueue_dma source(%dma_start3A_282 : memref<128xi32, #tpu.memory_space<hbm>>) target(%arg15 : memref<128xi32, #tpu.memory_space<vmem>>) target_semaphore(%run_scoped3A : memref<!tpu.dma_semaphore, #tpu.memory_space<semaphore_mem>>)
      %dma_wait3A_283 = tpu.memref_slice %arg9[%add3A_240] : memref<16384xi32, #tpu.memory_space<hbm>> -> memref<128xi32, #tpu.memory_space<hbm>>
      %dma_wait3A_284 = tpu.memref_slice %arg9[%add3A_240] : memref<16384xi32, #tpu.memory_space<hbm>> -> memref<128xi32, #tpu.memory_space<hbm>>
      tpu.wait_dma2 semaphore(%run_scoped3A : memref<!tpu.dma_semaphore, #tpu.memory_space<semaphore_mem>>) src(%dma_wait3A_284 : memref<128xi32, #tpu.memory_space<hbm>>) dst(%arg15 : memref<128xi32, #tpu.memory_space<vmem>>)
      tpu.yield
    }) : () -> ()
    %dma_start3A_241 = arith.constant 128 : i32
    %dma_start3A_242 = arith.constant 0 : i32
    %dma_start3A_243 = tpu.memref_slice %arg16[%dma_start3A_241, %dma_start3A_242] : memref<512x128xf32, #tpu.memory_space<vmem>> -> memref<128x128xf32, #tpu.memory_space<vmem>>
    %dma_start3A_244 = arith.constant 0 : i32
    %dma_start3A_245 = arith.constant 0 : i32
    %dma_start3A_246 = tpu.memref_slice %arg6[%dma_start3A_244, %dma_start3A_245] : memref<1000x128xf32, #tpu.memory_space<hbm>> -> memref<1000x128xf32, #tpu.memory_space<hbm>>
    tpu.enqueue_indirect_dma source(%dma_start3A_246 : memref<1000x128xf32, #tpu.memory_space<hbm>>) target(%dma_start3A_243 : memref<128x128xf32, #tpu.memory_space<vmem>>) offsets(%arg15 : memref<128xi32, #tpu.memory_space<vmem>>) semaphore(%arg17 : memref<!tpu.dma_semaphore, #tpu.memory_space<semaphore_mem>>)
    %dma_wait3A_247 = arith.constant 128 : i32
    %dma_wait3A_248 = arith.constant 0 : i32
    %dma_wait3A_249 = tpu.memref_slice %arg16[%dma_wait3A_247, %dma_wait3A_248] : memref<512x128xf32, #tpu.memory_space<vmem>> -> memref<128x128xf32, #tpu.memory_space<vmem>>
    %dma_wait3A_250 = arith.constant 0 : i32
    %dma_wait3A_251 = arith.constant 0 : i32
    %dma_wait3A_252 = tpu.memref_slice %arg6[%dma_wait3A_250, %dma_wait3A_251] : memref<1000x128xf32, #tpu.memory_space<hbm>> -> memref<1000x128xf32, #tpu.memory_space<hbm>>
    tpu.wait_indirect_dma semaphore(%arg17 : memref<!tpu.dma_semaphore, #tpu.memory_space<semaphore_mem>>) src(%dma_wait3A_252 : memref<1000x128xf32, #tpu.memory_space<hbm>>) dst(%dma_wait3A_249 : memref<128x128xf32, #tpu.memory_space<vmem>>)
    %add3A_253 = arith.constant 256 : i32
    %add3A_254 = arith.addi %mul3A_2, %add3A_253 : i32
    "tpu.region"() ({
      %run_scoped3A = tpu.sem_alloc : memref<!tpu.dma_semaphore, #tpu.memory_space<semaphore_mem>>
      %dma_start3A_281 = tpu.memref_slice %arg9[%add3A_254] : memref<16384xi32, #tpu.memory_space<hbm>> -> memref<128xi32, #tpu.memory_space<hbm>>
      %dma_start3A_282 = tpu.memref_slice %arg9[%add3A_254] : memref<16384xi32, #tpu.memory_space<hbm>> -> memref<128xi32, #tpu.memory_space<hbm>>
      tpu.enqueue_dma source(%dma_start3A_282 : memref<128xi32, #tpu.memory_space<hbm>>) target(%arg15 : memref<128xi32, #tpu.memory_space<vmem>>) target_semaphore(%run_scoped3A : memref<!tpu.dma_semaphore, #tpu.memory_space<semaphore_mem>>)
      %dma_wait3A_283 = tpu.memref_slice %arg9[%add3A_254] : memref<16384xi32, #tpu.memory_space<hbm>> -> memref<128xi32, #tpu.memory_space<hbm>>
      %dma_wait3A_284 = tpu.memref_slice %arg9[%add3A_254] : memref<16384xi32, #tpu.memory_space<hbm>> -> memref<128xi32, #tpu.memory_space<hbm>>
      tpu.wait_dma2 semaphore(%run_scoped3A : memref<!tpu.dma_semaphore, #tpu.memory_space<semaphore_mem>>) src(%dma_wait3A_284 : memref<128xi32, #tpu.memory_space<hbm>>) dst(%arg15 : memref<128xi32, #tpu.memory_space<vmem>>)
      tpu.yield
    }) : () -> ()
    %dma_start3A_255 = arith.constant 256 : i32
    %dma_start3A_256 = arith.constant 0 : i32
    %dma_start3A_257 = tpu.memref_slice %arg16[%dma_start3A_255, %dma_start3A_256] : memref<512x128xf32, #tpu.memory_space<vmem>> -> memref<128x128xf32, #tpu.memory_space<vmem>>
    %dma_start3A_258 = arith.constant 0 : i32
    %dma_start3A_259 = arith.constant 0 : i32
    %dma_start3A_260 = tpu.memref_slice %arg6[%dma_start3A_258, %dma_start3A_259] : memref<1000x128xf32, #tpu.memory_space<hbm>> -> memref<1000x128xf32, #tpu.memory_space<hbm>>
    tpu.enqueue_indirect_dma source(%dma_start3A_260 : memref<1000x128xf32, #tpu.memory_space<hbm>>) target(%dma_start3A_257 : memref<128x128xf32, #tpu.memory_space<vmem>>) offsets(%arg15 : memref<128xi32, #tpu.memory_space<vmem>>) semaphore(%arg17 : memref<!tpu.dma_semaphore, #tpu.memory_space<semaphore_mem>>)
    %dma_wait3A_261 = arith.constant 256 : i32
    %dma_wait3A_262 = arith.constant 0 : i32
    %dma_wait3A_263 = tpu.memref_slice %arg16[%dma_wait3A_261, %dma_wait3A_262] : memref<512x128xf32, #tpu.memory_space<vmem>> -> memref<128x128xf32, #tpu.memory_space<vmem>>
    %dma_wait3A_264 = arith.constant 0 : i32
    %dma_wait3A_265 = arith.constant 0 : i32
    %dma_wait3A_266 = tpu.memref_slice %arg6[%dma_wait3A_264, %dma_wait3A_265] : memref<1000x128xf32, #tpu.memory_space<hbm>> -> memref<1000x128xf32, #tpu.memory_space<hbm>>
    tpu.wait_indirect_dma semaphore(%arg17 : memref<!tpu.dma_semaphore, #tpu.memory_space<semaphore_mem>>) src(%dma_wait3A_266 : memref<1000x128xf32, #tpu.memory_space<hbm>>) dst(%dma_wait3A_263 : memref<128x128xf32, #tpu.memory_space<vmem>>)
    %add3A_267 = arith.constant 384 : i32
    %add3A_268 = arith.addi %mul3A_2, %add3A_267 : i32
    "tpu.region"() ({
      %run_scoped3A = tpu.sem_alloc : memref<!tpu.dma_semaphore, #tpu.memory_space<semaphore_mem>>
      %dma_start3A_281 = tpu.memref_slice %arg9[%add3A_268] : memref<16384xi32, #tpu.memory_space<hbm>> -> memref<128xi32, #tpu.memory_space<hbm>>
      %dma_start3A_282 = tpu.memref_slice %arg9[%add3A_268] : memref<16384xi32, #tpu.memory_space<hbm>> -> memref<128xi32, #tpu.memory_space<hbm>>
      tpu.enqueue_dma source(%dma_start3A_282 : memref<128xi32, #tpu.memory_space<hbm>>) target(%arg15 : memref<128xi32, #tpu.memory_space<vmem>>) target_semaphore(%run_scoped3A : memref<!tpu.dma_semaphore, #tpu.memory_space<semaphore_mem>>)
      %dma_wait3A_283 = tpu.memref_slice %arg9[%add3A_268] : memref<16384xi32, #tpu.memory_space<hbm>> -> memref<128xi32, #tpu.memory_space<hbm>>
      %dma_wait3A_284 = tpu.memref_slice %arg9[%add3A_268] : memref<16384xi32, #tpu.memory_space<hbm>> -> memref<128xi32, #tpu.memory_space<hbm>>
      tpu.wait_dma2 semaphore(%run_scoped3A : memref<!tpu.dma_semaphore, #tpu.memory_space<semaphore_mem>>) src(%dma_wait3A_284 : memref<128xi32, #tpu.memory_space<hbm>>) dst(%arg15 : memref<128xi32, #tpu.memory_space<vmem>>)
      tpu.yield
    }) : () -> ()
    %dma_start3A_269 = arith.constant 384 : i32
    %dma_start3A_270 = arith.constant 0 : i32
    %dma_start3A_271 = tpu.memref_slice %arg16[%dma_start3A_269, %dma_start3A_270] : memref<512x128xf32, #tpu.memory_space<vmem>> -> memref<128x128xf32, #tpu.memory_space<vmem>>
    %dma_start3A_272 = arith.constant 0 : i32
    %dma_start3A_273 = arith.constant 0 : i32
    %dma_start3A_274 = tpu.memref_slice %arg6[%dma_start3A_272, %dma_start3A_273] : memref<1000x128xf32, #tpu.memory_space<hbm>> -> memref<1000x128xf32, #tpu.memory_space<hbm>>
    tpu.enqueue_indirect_dma source(%dma_start3A_274 : memref<1000x128xf32, #tpu.memory_space<hbm>>) target(%dma_start3A_271 : memref<128x128xf32, #tpu.memory_space<vmem>>) offsets(%arg15 : memref<128xi32, #tpu.memory_space<vmem>>) semaphore(%arg17 : memref<!tpu.dma_semaphore, #tpu.memory_space<semaphore_mem>>)
    %dma_wait3A_275 = arith.constant 384 : i32
    %dma_wait3A_276 = arith.constant 0 : i32
    %dma_wait3A_277 = tpu.memref_slice %arg16[%dma_wait3A_275, %dma_wait3A_276] : memref<512x128xf32, #tpu.memory_space<vmem>> -> memref<128x128xf32, #tpu.memory_space<vmem>>
    %dma_wait3A_278 = arith.constant 0 : i32
    %dma_wait3A_279 = arith.constant 0 : i32
    %dma_wait3A_280 = tpu.memref_slice %arg6[%dma_wait3A_278, %dma_wait3A_279] : memref<1000x128xf32, #tpu.memory_space<hbm>> -> memref<1000x128xf32, #tpu.memory_space<hbm>>
    tpu.wait_indirect_dma semaphore(%arg17 : memref<!tpu.dma_semaphore, #tpu.memory_space<semaphore_mem>>) src(%dma_wait3A_280 : memref<1000x128xf32, #tpu.memory_space<hbm>>) dst(%dma_wait3A_277 : memref<128x128xf32, #tpu.memory_space<vmem>>)
    "tpu.region"() ({
      %run_scoped3A = tpu.sem_alloc : memref<!tpu.dma_semaphore, #tpu.memory_space<semaphore_mem>>
      %dma_start3A_281 = arith.constant 0 : i32
      %dma_start3A_282 = tpu.memref_slice %arg14[%mul3A_2, %dma_start3A_281] : memref<16384x128xf32, #tpu.memory_space<hbm>> -> memref<512x128xf32, #tpu.memory_space<hbm>>
      %dma_start3A_283 = arith.constant 0 : i32
      %dma_start3A_284 = tpu.memref_slice %arg14[%mul3A_2, %dma_start3A_283] : memref<16384x128xf32, #tpu.memory_space<hbm>> -> memref<512x128xf32, #tpu.memory_space<hbm>>
      tpu.enqueue_dma source(%arg16 : memref<512x128xf32, #tpu.memory_space<vmem>>) target(%dma_start3A_284 : memref<512x128xf32, #tpu.memory_space<hbm>>) target_semaphore(%run_scoped3A : memref<!tpu.dma_semaphore, #tpu.memory_space<semaphore_mem>>)
      %dma_wait3A_285 = arith.constant 0 : i32
      %dma_wait3A_286 = tpu.memref_slice %arg14[%mul3A_2, %dma_wait3A_285] : memref<16384x128xf32, #tpu.memory_space<hbm>> -> memref<512x128xf32, #tpu.memory_space<hbm>>
      %dma_wait3A_287 = arith.constant 0 : i32
      %dma_wait3A_288 = tpu.memref_slice %arg14[%mul3A_2, %dma_wait3A_287] : memref<16384x128xf32, #tpu.memory_space<hbm>> -> memref<512x128xf32, #tpu.memory_space<hbm>>
      tpu.wait_dma2 semaphore(%run_scoped3A : memref<!tpu.dma_semaphore, #tpu.memory_space<semaphore_mem>>) src(%arg16 : memref<512x128xf32, #tpu.memory_space<vmem>>) dst(%dma_wait3A_288 : memref<512x128xf32, #tpu.memory_space<hbm>>)
      tpu.yield
    }) : () -> ()
    return
  }
}

module attributes {stable_mosaic.version = 14 : i64} {
  func.func @_tc_body(%arg0: i32, %arg1: memref<1024x128xf32, #tpu.memory_space<vmem>>, %arg2: memref<1024x128xf32, #tpu.memory_space<vmem>>, %arg3: memref<1024x128xf32, #tpu.memory_space<vmem>>, %arg4: memref<1024x128xf32, #tpu.memory_space<vmem>>, %arg5: memref<1024x128xf32, #tpu.memory_space<vmem>>, %arg6: memref<1024x1xi32, #tpu.memory_space<vmem>>, %arg7: memref<1024x1xi32, #tpu.memory_space<vmem>>, %arg8: memref<1024x1xi32, #tpu.memory_space<vmem>>, %arg9: memref<128x128xbf16, #tpu.memory_space<vmem>>, %arg10: memref<128x128xbf16, #tpu.memory_space<vmem>>, %arg11: memref<128x128xbf16, #tpu.memory_space<vmem>>, %arg12: memref<128x128xbf16, #tpu.memory_space<vmem>>, %arg13: memref<128x1024xbf16, #tpu.memory_space<vmem>>, %arg14: memref<1x1024xf32, #tpu.memory_space<vmem>>, %arg15: memref<128x512xbf16, #tpu.memory_space<vmem>>, %arg16: memref<128x512xbf16, #tpu.memory_space<vmem>>, %arg17: memref<1x512xf32, #tpu.memory_space<vmem>>, %arg18: memref<128x512xbf16, #tpu.memory_space<vmem>>, %arg19: memref<128x512xbf16, #tpu.memory_space<vmem>>, %arg20: memref<1x512xf32, #tpu.memory_space<vmem>>, %arg21: memref<2xf32, #tpu.memory_space<smem>>, %arg22: memref<131072x128xf32, #tpu.memory_space<any>>, %arg23: memref<131072x128xf32, #tpu.memory_space<any>>, %arg24: memref<131072x128xf32, #tpu.memory_space<any>>, %arg25: memref<131072x128xf32, #tpu.memory_space<any>>, %arg26: memref<1x1xf32, #tpu.memory_space<smem>>, %arg27: memref<1024x128xf32, #tpu.memory_space<vmem>>, %arg28: memref<1024x128xf32, #tpu.memory_space<vmem>>, %arg29: memref<1024x128xf32, #tpu.memory_space<vmem>>, %arg30: memref<1024x128xf32, #tpu.memory_space<vmem>>) attributes {dimension_semantics = [#tpu.dimension_semantics<arbitrary>], iteration_bounds = array<i64: 16>, scalar_prefetch = 0 : i64, scratch_operands = 0 : i64, tpu.core_type = #tpu.core_type<tc>, window_params = [{transform_indices = @transform_0, window_bounds = array<i64: 1024, 128>}, {transform_indices = @transform_1, window_bounds = array<i64: 1024, 128>}, {transform_indices = @transform_2, window_bounds = array<i64: 1024, 128>}, {transform_indices = @transform_3, window_bounds = array<i64: 1024, 128>}, {transform_indices = @transform_4, window_bounds = array<i64: 1024, 128>}, {transform_indices = @transform_5, window_bounds = array<i64: 1024, 1>}, {transform_indices = @transform_6, window_bounds = array<i64: 1024, 1>}, {transform_indices = @transform_7, window_bounds = array<i64: 1024, 1>}, {pipeline_mode = #tpu.pipeline_mode<synchronous>, transform_indices = @transform_8, window_bounds = array<i64: 128, 128>}, {pipeline_mode = #tpu.pipeline_mode<synchronous>, transform_indices = @transform_9, window_bounds = array<i64: 128, 128>}, {pipeline_mode = #tpu.pipeline_mode<synchronous>, transform_indices = @transform_10, window_bounds = array<i64: 128, 128>}, {pipeline_mode = #tpu.pipeline_mode<synchronous>, transform_indices = @transform_11, window_bounds = array<i64: 128, 128>}, {pipeline_mode = #tpu.pipeline_mode<synchronous>, transform_indices = @transform_12, window_bounds = array<i64: 128, 1024>}, {pipeline_mode = #tpu.pipeline_mode<synchronous>, transform_indices = @transform_13, window_bounds = array<i64: 1, 1024>}, {pipeline_mode = #tpu.pipeline_mode<synchronous>, transform_indices = @transform_14, window_bounds = array<i64: 128, 512>}, {pipeline_mode = #tpu.pipeline_mode<synchronous>, transform_indices = @transform_15, window_bounds = array<i64: 128, 512>}, {pipeline_mode = #tpu.pipeline_mode<synchronous>, transform_indices = @transform_16, window_bounds = array<i64: 1, 512>}, {pipeline_mode = #tpu.pipeline_mode<synchronous>, transform_indices = @transform_17, window_bounds = array<i64: 128, 512>}, {pipeline_mode = #tpu.pipeline_mode<synchronous>, transform_indices = @transform_18, window_bounds = array<i64: 128, 512>}, {pipeline_mode = #tpu.pipeline_mode<synchronous>, transform_indices = @transform_19, window_bounds = array<i64: 1, 512>}, {transform_indices = @transform_20, window_bounds = array<i64: 2>}, {}, {}, {}, {}, {transform_indices = @transform_25, window_bounds = array<i64: 1, 1>}, {transform_indices = @transform_26, window_bounds = array<i64: 1024, 128>}, {transform_indices = @transform_27, window_bounds = array<i64: 1024, 128>}, {transform_indices = @transform_28, window_bounds = array<i64: 1024, 128>}, {transform_indices = @transform_29, window_bounds = array<i64: 1024, 128>}]} {
    %get3A = arith.constant 0 : index
    %get3A_0 = arith.constant 0 : index
    %get3A_1 = vector.load %arg6[%get3A, %get3A_0] : memref<1024x1xi32, #tpu.memory_space<vmem>>, vector<1024x1xi32>
    %convert_element_type3A = arith.sitofp %get3A_1 : vector<1024x1xi32> to vector<1024x1xf32>
    %get3A_2 = arith.constant 0 : index
    %get3A_3 = arith.constant 0 : index
    %get3A_4 = vector.load %arg7[%get3A_2, %get3A_3] : memref<1024x1xi32, #tpu.memory_space<vmem>>, vector<1024x1xi32>
    %convert_element_type3A_5 = arith.sitofp %get3A_4 : vector<1024x1xi32> to vector<1024x1xf32>
    %get3A_6 = arith.constant 0 : index
    %get3A_7 = arith.constant 0 : index
    %get3A_8 = vector.load %arg1[%get3A_6, %get3A_7] : memref<1024x128xf32, #tpu.memory_space<vmem>>, vector<1024x128xf32>
    %get3A_9 = arith.constant 0 : index
    %get3A_10 = arith.constant 0 : index
    %get3A_11 = vector.load %arg3[%get3A_9, %get3A_10] : memref<1024x128xf32, #tpu.memory_space<vmem>>, vector<1024x128xf32>
    %get3A_12 = arith.constant 0 : index
    %get3A_13 = arith.constant 0 : index
    %get3A_14 = vector.load %arg5[%get3A_12, %get3A_13] : memref<1024x128xf32, #tpu.memory_space<vmem>>, vector<1024x128xf32>
    %convert_element_type3A_15 = arith.truncf %get3A_14 : vector<1024x128xf32> to vector<1024x128xbf16>
    %convert_element_type3A_16 = arith.truncf %get3A_8 : vector<1024x128xf32> to vector<1024x128xbf16>
    %convert_element_type3A_17 = arith.truncf %get3A_11 : vector<1024x128xf32> to vector<1024x128xbf16>
    %get3A_18 = arith.constant 0 : index
    %get3A_19 = arith.constant 0 : index
    %get3A_20 = vector.load %arg9[%get3A_18, %get3A_19] : memref<128x128xbf16, #tpu.memory_space<vmem>>, vector<128x128xbf16>
    %dot_general3A = arith.constant dense<0.000000e+00> : vector<1024x128xf32>
    %dot_general3A_21 = tpu.matmul %convert_element_type3A_16, %get3A_20, %dot_general3A {dimension_numbers = #tpu.dot_dimension_numbers<[1], [0], [0], [1], [0, 0, 1, 1], [], []>, transpose_lhs_hint = false} : vector<1024x128xbf16>, vector<128x128xbf16>, vector<1024x128xf32> -> vector<1024x128xf32>
    %get3A_22 = arith.constant 0 : index
    %get3A_23 = arith.constant 0 : index
    %get3A_24 = vector.load %arg10[%get3A_22, %get3A_23] : memref<128x128xbf16, #tpu.memory_space<vmem>>, vector<128x128xbf16>
    %dot_general3A_25 = arith.constant dense<0.000000e+00> : vector<1024x128xf32>
    %dot_general3A_26 = tpu.matmul %convert_element_type3A_17, %get3A_24, %dot_general3A_25 {dimension_numbers = #tpu.dot_dimension_numbers<[1], [0], [0], [1], [0, 0, 1, 1], [], []>, transpose_lhs_hint = false} : vector<1024x128xbf16>, vector<128x128xbf16>, vector<1024x128xf32> -> vector<1024x128xf32>
    %add3A = arith.addf %dot_general3A_21, %dot_general3A_26 : vector<1024x128xf32>
    %tanh3A = math.tanh %add3A : vector<1024x128xf32>
    %convert_element_type3A_27 = arith.truncf %tanh3A : vector<1024x128xf32> to vector<1024x128xbf16>
    %get3A_28 = arith.constant 0 : index
    %get3A_29 = memref.load %arg21[%get3A_28] : memref<2xf32, #tpu.memory_space<smem>>
    %get3A_30 = arith.constant 1 : index
    %get3A_31 = memref.load %arg21[%get3A_30] : memref<2xf32, #tpu.memory_space<smem>>
    %get3A_32 = arith.constant 0 : index
    %get3A_33 = arith.constant 0 : index
    %get3A_34 = vector.load %arg11[%get3A_32, %get3A_33] : memref<128x128xbf16, #tpu.memory_space<vmem>>, vector<128x128xbf16>
    %dot_general3A_35 = arith.constant dense<0.000000e+00> : vector<1024x128xf32>
    %dot_general3A_36 = tpu.matmul %convert_element_type3A_27, %get3A_34, %dot_general3A_35 {dimension_numbers = #tpu.dot_dimension_numbers<[1], [0], [0], [1], [0, 0, 1, 1], [], []>, transpose_lhs_hint = false} : vector<1024x128xbf16>, vector<128x128xbf16>, vector<1024x128xf32> -> vector<1024x128xf32>
    %slice3A = vector.extract_strided_slice %dot_general3A_36 {offsets = [0, 0], sizes = [1024, 1], strides = [1, 1]} : vector<1024x128xf32> to vector<1024x1xf32>
    %add3A_37 = vector.broadcast %get3A_29 : f32 to vector<1024x1xf32>
    %add3A_38 = arith.addf %slice3A, %add3A_37 : vector<1024x1xf32>
    %slice3A_39 = vector.extract_strided_slice %dot_general3A_36 {offsets = [0, 1], sizes = [1024, 1], strides = [1, 1]} : vector<1024x128xf32> to vector<1024x1xf32>
    %add3A_40 = vector.broadcast %get3A_31 : f32 to vector<1024x1xf32>
    %add3A_41 = arith.addf %slice3A_39, %add3A_40 : vector<1024x1xf32>
    %get3A_42 = arith.constant 0 : index
    %get3A_43 = arith.constant 0 : index
    %get3A_44 = vector.load %arg13[%get3A_42, %get3A_43] : memref<128x1024xbf16, #tpu.memory_space<vmem>>, vector<128x1024xbf16>
    %dot_general3A_45 = arith.constant dense<0.000000e+00> : vector<1024x1024xf32>
    %dot_general3A_46 = tpu.matmul %convert_element_type3A_27, %get3A_44, %dot_general3A_45 {dimension_numbers = #tpu.dot_dimension_numbers<[1], [0], [0], [1], [0, 0, 1, 1], [], []>, transpose_lhs_hint = false} : vector<1024x128xbf16>, vector<128x1024xbf16>, vector<1024x1024xf32> -> vector<1024x1024xf32>
    %get3A_47 = arith.constant 0 : index
    %get3A_48 = arith.constant 0 : index
    %get3A_49 = vector.load %arg14[%get3A_47, %get3A_48] : memref<1x1024xf32, #tpu.memory_space<vmem>>, vector<1x1024xf32>
    %add3A_50 = vector.broadcast %get3A_49 : vector<1x1024xf32> to vector<1024x1024xf32>
    %add3A_51 = arith.addf %dot_general3A_46, %add3A_50 : vector<1024x1024xf32>
    %reduce_max3A = arith.constant dense<0xFF800000> : vector<1024xf32>
    %reduce_max3A_52 = vector.multi_reduction <maximumf>, %add3A_51, %reduce_max3A [1] : vector<1024x1024xf32> to vector<1024xf32>
    %broadcast_in_dim3A = vector.shape_cast %reduce_max3A_52 : vector<1024xf32> to vector<1024x1xf32>
    %sub3A = vector.broadcast %broadcast_in_dim3A : vector<1024x1xf32> to vector<1024x1024xf32>
    %sub3A_53 = arith.subf %add3A_51, %sub3A : vector<1024x1024xf32>
    %exp3A = math.exp %sub3A_53 : vector<1024x1024xf32>
    %slice3A_54 = vector.extract_strided_slice %exp3A {offsets = [0, 0], sizes = [1024, 128], strides = [1, 1]} : vector<1024x1024xf32> to vector<1024x128xf32>
    %slice3A_55 = vector.extract_strided_slice %exp3A {offsets = [0, 128], sizes = [1024, 128], strides = [1, 1]} : vector<1024x1024xf32> to vector<1024x128xf32>
    %add3A_56 = arith.addf %slice3A_54, %slice3A_55 : vector<1024x128xf32>
    %slice3A_57 = vector.extract_strided_slice %exp3A {offsets = [0, 256], sizes = [1024, 128], strides = [1, 1]} : vector<1024x1024xf32> to vector<1024x128xf32>
    %add3A_58 = arith.addf %add3A_56, %slice3A_57 : vector<1024x128xf32>
    %slice3A_59 = vector.extract_strided_slice %exp3A {offsets = [0, 384], sizes = [1024, 128], strides = [1, 1]} : vector<1024x1024xf32> to vector<1024x128xf32>
    %add3A_60 = arith.addf %add3A_58, %slice3A_59 : vector<1024x128xf32>
    %slice3A_61 = vector.extract_strided_slice %exp3A {offsets = [0, 512], sizes = [1024, 128], strides = [1, 1]} : vector<1024x1024xf32> to vector<1024x128xf32>
    %add3A_62 = arith.addf %add3A_60, %slice3A_61 : vector<1024x128xf32>
    %slice3A_63 = vector.extract_strided_slice %exp3A {offsets = [0, 640], sizes = [1024, 128], strides = [1, 1]} : vector<1024x1024xf32> to vector<1024x128xf32>
    %add3A_64 = arith.addf %add3A_62, %slice3A_63 : vector<1024x128xf32>
    %slice3A_65 = vector.extract_strided_slice %exp3A {offsets = [0, 768], sizes = [1024, 128], strides = [1, 1]} : vector<1024x1024xf32> to vector<1024x128xf32>
    %add3A_66 = arith.addf %add3A_64, %slice3A_65 : vector<1024x128xf32>
    %slice3A_67 = vector.extract_strided_slice %exp3A {offsets = [0, 896], sizes = [1024, 128], strides = [1, 1]} : vector<1024x1024xf32> to vector<1024x128xf32>
    %add3A_68 = arith.addf %add3A_66, %slice3A_67 : vector<1024x128xf32>
    %convert_element_type3A_69 = arith.truncf %add3A_68 : vector<1024x128xf32> to vector<1024x128xbf16>
    %get3A_70 = arith.constant 0 : index
    %get3A_71 = arith.constant 0 : index
    %get3A_72 = vector.load %arg12[%get3A_70, %get3A_71] : memref<128x128xbf16, #tpu.memory_space<vmem>>, vector<128x128xbf16>
    %dot_general3A_73 = arith.constant dense<0.000000e+00> : vector<1024x128xf32>
    %dot_general3A_74 = tpu.matmul %convert_element_type3A_69, %get3A_72, %dot_general3A_73 {dimension_numbers = #tpu.dot_dimension_numbers<[1], [0], [0], [1], [0, 0, 1, 1], [], []>, transpose_lhs_hint = false} : vector<1024x128xbf16>, vector<128x128xbf16>, vector<1024x128xf32> -> vector<1024x128xf32>
    %slice3A_75 = vector.extract_strided_slice %dot_general3A_74 {offsets = [0, 0], sizes = [1024, 1], strides = [1, 1]} : vector<1024x128xf32> to vector<1024x1xf32>
    %log3A = math.log %slice3A_75 : vector<1024x1xf32>
    %add3A_76 = arith.addf %log3A, %broadcast_in_dim3A : vector<1024x1xf32>
    %iota3A = tpu.iota {dimensions = array<i32: 1>} : vector<1024x1024xi32>
    %get3A_77 = arith.constant 0 : index
    %get3A_78 = arith.constant 0 : index
    %get3A_79 = vector.load %arg8[%get3A_77, %get3A_78] : memref<1024x1xi32, #tpu.memory_space<vmem>>, vector<1024x1xi32>
    %eq3A = vector.broadcast %get3A_79 : vector<1024x1xi32> to vector<1024x1024xi32>
    %eq3A_80 = arith.cmpi eq, %iota3A, %eq3A : vector<1024x1024xi32>
    %jit3A = arith.constant 0.000000e+00 : f32
    %broadcast_in_dim3A_81 = vector.broadcast %jit3A : f32 to vector<1024x1024xf32>
    %select_n3A = arith.select %eq3A_80, %add3A_51, %broadcast_in_dim3A_81 : vector<1024x1024xi1>, vector<1024x1024xf32>
    %slice3A_82 = vector.extract_strided_slice %select_n3A {offsets = [0, 0], sizes = [1024, 128], strides = [1, 1]} : vector<1024x1024xf32> to vector<1024x128xf32>
    %slice3A_83 = vector.extract_strided_slice %select_n3A {offsets = [0, 128], sizes = [1024, 128], strides = [1, 1]} : vector<1024x1024xf32> to vector<1024x128xf32>
    %add3A_84 = arith.addf %slice3A_82, %slice3A_83 : vector<1024x128xf32>
    %slice3A_85 = vector.extract_strided_slice %select_n3A {offsets = [0, 256], sizes = [1024, 128], strides = [1, 1]} : vector<1024x1024xf32> to vector<1024x128xf32>
    %add3A_86 = arith.addf %add3A_84, %slice3A_85 : vector<1024x128xf32>
    %slice3A_87 = vector.extract_strided_slice %select_n3A {offsets = [0, 384], sizes = [1024, 128], strides = [1, 1]} : vector<1024x1024xf32> to vector<1024x128xf32>
    %add3A_88 = arith.addf %add3A_86, %slice3A_87 : vector<1024x128xf32>
    %slice3A_89 = vector.extract_strided_slice %select_n3A {offsets = [0, 512], sizes = [1024, 128], strides = [1, 1]} : vector<1024x1024xf32> to vector<1024x128xf32>
    %add3A_90 = arith.addf %add3A_88, %slice3A_89 : vector<1024x128xf32>
    %slice3A_91 = vector.extract_strided_slice %select_n3A {offsets = [0, 640], sizes = [1024, 128], strides = [1, 1]} : vector<1024x1024xf32> to vector<1024x128xf32>
    %add3A_92 = arith.addf %add3A_90, %slice3A_91 : vector<1024x128xf32>
    %slice3A_93 = vector.extract_strided_slice %select_n3A {offsets = [0, 768], sizes = [1024, 128], strides = [1, 1]} : vector<1024x1024xf32> to vector<1024x128xf32>
    %add3A_94 = arith.addf %add3A_92, %slice3A_93 : vector<1024x128xf32>
    %slice3A_95 = vector.extract_strided_slice %select_n3A {offsets = [0, 896], sizes = [1024, 128], strides = [1, 1]} : vector<1024x1024xf32> to vector<1024x128xf32>
    %add3A_96 = arith.addf %add3A_94, %slice3A_95 : vector<1024x128xf32>
    %convert_element_type3A_97 = arith.truncf %add3A_96 : vector<1024x128xf32> to vector<1024x128xbf16>
    %get3A_98 = arith.constant 0 : index
    %get3A_99 = arith.constant 0 : index
    %get3A_100 = vector.load %arg12[%get3A_98, %get3A_99] : memref<128x128xbf16, #tpu.memory_space<vmem>>, vector<128x128xbf16>
    %dot_general3A_101 = arith.constant dense<0.000000e+00> : vector<1024x128xf32>
    %dot_general3A_102 = tpu.matmul %convert_element_type3A_97, %get3A_100, %dot_general3A_101 {dimension_numbers = #tpu.dot_dimension_numbers<[1], [0], [0], [1], [0, 0, 1, 1], [], []>, transpose_lhs_hint = false} : vector<1024x128xbf16>, vector<128x128xbf16>, vector<1024x128xf32> -> vector<1024x128xf32>
    %slice3A_103 = vector.extract_strided_slice %dot_general3A_102 {offsets = [0, 0], sizes = [1024, 1], strides = [1, 1]} : vector<1024x128xf32> to vector<1024x1xf32>
    %sub3A_104 = arith.subf %add3A_76, %slice3A_103 : vector<1024x1xf32>
    %max3A = arith.constant 0.000000e+00 : f32
    %max3A_105 = vector.broadcast %max3A : f32 to vector<1024x1xf32>
    %max3A_106 = arith.maximumf %add3A_38, %max3A_105 : vector<1024x1xf32>
    %abs3A = math.absf %add3A_38 : vector<1024x1xf32>
    %neg3A = arith.constant 0.000000e+00 : f32
    %neg3A_107 = vector.broadcast %neg3A : f32 to vector<1024x1xf32>
    %neg3A_108 = arith.subf %neg3A_107, %abs3A : vector<1024x1xf32>
    %exp3A_109 = math.exp %neg3A_108 : vector<1024x1xf32>
    %log1p3A = math.log1p %exp3A_109 : vector<1024x1xf32>
    %add3A_110 = arith.addf %max3A_106, %log1p3A : vector<1024x1xf32>
    %mul3A = arith.mulf %add3A_38, %convert_element_type3A : vector<1024x1xf32>
    %sub3A_111 = arith.subf %add3A_110, %mul3A : vector<1024x1xf32>
    %add3A_112 = arith.addf %sub3A_104, %sub3A_111 : vector<1024x1xf32>
    %max3A_113 = arith.constant 0.000000e+00 : f32
    %max3A_114 = vector.broadcast %max3A_113 : f32 to vector<1024x1xf32>
    %max3A_115 = arith.maximumf %add3A_41, %max3A_114 : vector<1024x1xf32>
    %abs3A_116 = math.absf %add3A_41 : vector<1024x1xf32>
    %neg3A_117 = arith.constant 0.000000e+00 : f32
    %neg3A_118 = vector.broadcast %neg3A_117 : f32 to vector<1024x1xf32>
    %neg3A_119 = arith.subf %neg3A_118, %abs3A_116 : vector<1024x1xf32>
    %exp3A_120 = math.exp %neg3A_119 : vector<1024x1xf32>
    %log1p3A_121 = math.log1p %exp3A_120 : vector<1024x1xf32>
    %add3A_122 = arith.addf %max3A_115, %log1p3A_121 : vector<1024x1xf32>
    %mul3A_123 = arith.mulf %add3A_41, %convert_element_type3A_5 : vector<1024x1xf32>
    %sub3A_124 = arith.subf %add3A_122, %mul3A_123 : vector<1024x1xf32>
    %add3A_125 = arith.addf %add3A_112, %sub3A_124 : vector<1024x1xf32>
    %reduce_sum3A = vector.shape_cast %add3A_125 : vector<1024x1xf32> to vector<1x1024x1xf32>
    %reduce_sum3A_126 = arith.constant dense<0.000000e+00> : vector<1xf32>
    %reduce_sum3A_127 = vector.multi_reduction <add>, %reduce_sum3A, %reduce_sum3A_126 [1, 2] : vector<1x1024x1xf32> to vector<1xf32>
    %reduce_sum3A_128 = vector.shape_cast %reduce_sum3A_127 : vector<1xf32> to vector<1x1x1xf32>
    %reduce_sum3A_129 = vector.extract %reduce_sum3A_128[0, 0, 0] : f32 from vector<1x1x1xf32>
    %get3A_130 = arith.constant 0 : index
    %get3A_131 = arith.constant 0 : index
    %get3A_132 = vector.load %arg2[%get3A_130, %get3A_131] : memref<1024x128xf32, #tpu.memory_space<vmem>>, vector<1024x128xf32>
    %get3A_133 = arith.constant 0 : index
    %get3A_134 = arith.constant 0 : index
    %get3A_135 = vector.load %arg15[%get3A_133, %get3A_134] : memref<128x512xbf16, #tpu.memory_space<vmem>>, vector<128x512xbf16>
    %dot_general3A_136 = arith.constant dense<0.000000e+00> : vector<1024x512xf32>
    %dot_general3A_137 = tpu.matmul %convert_element_type3A_15, %get3A_135, %dot_general3A_136 {dimension_numbers = #tpu.dot_dimension_numbers<[1], [0], [0], [1], [0, 0, 1, 1], [], []>, transpose_lhs_hint = false} : vector<1024x128xbf16>, vector<128x512xbf16>, vector<1024x512xf32> -> vector<1024x512xf32>
    %get3A_138 = arith.constant 0 : index
    %get3A_139 = arith.constant 0 : index
    %get3A_140 = vector.load %arg16[%get3A_138, %get3A_139] : memref<128x512xbf16, #tpu.memory_space<vmem>>, vector<128x512xbf16>
    %dot_general3A_141 = arith.constant dense<0.000000e+00> : vector<1024x512xf32>
    %dot_general3A_142 = tpu.matmul %convert_element_type3A_16, %get3A_140, %dot_general3A_141 {dimension_numbers = #tpu.dot_dimension_numbers<[1], [0], [0], [1], [0, 0, 1, 1], [], []>, transpose_lhs_hint = false} : vector<1024x128xbf16>, vector<128x512xbf16>, vector<1024x512xf32> -> vector<1024x512xf32>
    %add3A_143 = arith.addf %dot_general3A_137, %dot_general3A_142 : vector<1024x512xf32>
    %get3A_144 = arith.constant 0 : index
    %get3A_145 = arith.constant 0 : index
    %get3A_146 = vector.load %arg17[%get3A_144, %get3A_145] : memref<1x512xf32, #tpu.memory_space<vmem>>, vector<1x512xf32>
    %add3A_147 = vector.broadcast %get3A_146 : vector<1x512xf32> to vector<1024x512xf32>
    %add3A_148 = arith.addf %add3A_143, %add3A_147 : vector<1024x512xf32>
    %slice3A_149 = vector.extract_strided_slice %add3A_148 {offsets = [0, 0], sizes = [1024, 128], strides = [1, 1]} : vector<1024x512xf32> to vector<1024x128xf32>
    %mul3A_150 = arith.constant 5.000000e-01 : f32
    %mul3A_151 = vector.broadcast %mul3A_150 : f32 to vector<1024x128xf32>
    %mul3A_152 = arith.mulf %mul3A_151, %slice3A_149 : vector<1024x128xf32>
    %tanh3A_153 = math.tanh %mul3A_152 : vector<1024x128xf32>
    %mul3A_154 = arith.constant 5.000000e-01 : f32
    %mul3A_155 = vector.broadcast %mul3A_154 : f32 to vector<1024x128xf32>
    %mul3A_156 = arith.mulf %mul3A_155, %tanh3A_153 : vector<1024x128xf32>
    %add3A_157 = arith.constant 5.000000e-01 : f32
    %add3A_158 = vector.broadcast %add3A_157 : f32 to vector<1024x128xf32>
    %add3A_159 = arith.addf %mul3A_156, %add3A_158 : vector<1024x128xf32>
    %slice3A_160 = vector.extract_strided_slice %add3A_148 {offsets = [0, 128], sizes = [1024, 128], strides = [1, 1]} : vector<1024x512xf32> to vector<1024x128xf32>
    %mul3A_161 = arith.constant 5.000000e-01 : f32
    %mul3A_162 = vector.broadcast %mul3A_161 : f32 to vector<1024x128xf32>
    %mul3A_163 = arith.mulf %mul3A_162, %slice3A_160 : vector<1024x128xf32>
    %tanh3A_164 = math.tanh %mul3A_163 : vector<1024x128xf32>
    %mul3A_165 = arith.constant 5.000000e-01 : f32
    %mul3A_166 = vector.broadcast %mul3A_165 : f32 to vector<1024x128xf32>
    %mul3A_167 = arith.mulf %mul3A_166, %tanh3A_164 : vector<1024x128xf32>
    %add3A_168 = arith.constant 5.000000e-01 : f32
    %add3A_169 = vector.broadcast %add3A_168 : f32 to vector<1024x128xf32>
    %add3A_170 = arith.addf %mul3A_167, %add3A_169 : vector<1024x128xf32>
    %slice3A_171 = vector.extract_strided_slice %add3A_148 {offsets = [0, 256], sizes = [1024, 128], strides = [1, 1]} : vector<1024x512xf32> to vector<1024x128xf32>
    %tanh3A_172 = math.tanh %slice3A_171 : vector<1024x128xf32>
    %slice3A_173 = vector.extract_strided_slice %add3A_148 {offsets = [0, 384], sizes = [1024, 128], strides = [1, 1]} : vector<1024x512xf32> to vector<1024x128xf32>
    %mul3A_174 = arith.constant 5.000000e-01 : f32
    %mul3A_175 = vector.broadcast %mul3A_174 : f32 to vector<1024x128xf32>
    %mul3A_176 = arith.mulf %mul3A_175, %slice3A_173 : vector<1024x128xf32>
    %tanh3A_177 = math.tanh %mul3A_176 : vector<1024x128xf32>
    %mul3A_178 = arith.constant 5.000000e-01 : f32
    %mul3A_179 = vector.broadcast %mul3A_178 : f32 to vector<1024x128xf32>
    %mul3A_180 = arith.mulf %mul3A_179, %tanh3A_177 : vector<1024x128xf32>
    %add3A_181 = arith.constant 5.000000e-01 : f32
    %add3A_182 = vector.broadcast %add3A_181 : f32 to vector<1024x128xf32>
    %add3A_183 = arith.addf %mul3A_180, %add3A_182 : vector<1024x128xf32>
    %mul3A_184 = arith.mulf %add3A_170, %get3A_132 : vector<1024x128xf32>
    %mul3A_185 = arith.mulf %add3A_159, %tanh3A_172 : vector<1024x128xf32>
    %add3A_186 = arith.addf %mul3A_184, %mul3A_185 : vector<1024x128xf32>
    %tanh3A_187 = math.tanh %add3A_186 : vector<1024x128xf32>
    %mul3A_188 = arith.mulf %add3A_183, %tanh3A_187 : vector<1024x128xf32>
    %get3A_189 = arith.constant 0 : index
    %get3A_190 = arith.constant 0 : index
    %get3A_191 = vector.load %arg4[%get3A_189, %get3A_190] : memref<1024x128xf32, #tpu.memory_space<vmem>>, vector<1024x128xf32>
    %get3A_192 = arith.constant 0 : index
    %get3A_193 = arith.constant 0 : index
    %get3A_194 = vector.load %arg18[%get3A_192, %get3A_193] : memref<128x512xbf16, #tpu.memory_space<vmem>>, vector<128x512xbf16>
    %dot_general3A_195 = arith.constant dense<0.000000e+00> : vector<1024x512xf32>
    %dot_general3A_196 = tpu.matmul %convert_element_type3A_15, %get3A_194, %dot_general3A_195 {dimension_numbers = #tpu.dot_dimension_numbers<[1], [0], [0], [1], [0, 0, 1, 1], [], []>, transpose_lhs_hint = false} : vector<1024x128xbf16>, vector<128x512xbf16>, vector<1024x512xf32> -> vector<1024x512xf32>
    %get3A_197 = arith.constant 0 : index
    %get3A_198 = arith.constant 0 : index
    %get3A_199 = vector.load %arg19[%get3A_197, %get3A_198] : memref<128x512xbf16, #tpu.memory_space<vmem>>, vector<128x512xbf16>
    %dot_general3A_200 = arith.constant dense<0.000000e+00> : vector<1024x512xf32>
    %dot_general3A_201 = tpu.matmul %convert_element_type3A_17, %get3A_199, %dot_general3A_200 {dimension_numbers = #tpu.dot_dimension_numbers<[1], [0], [0], [1], [0, 0, 1, 1], [], []>, transpose_lhs_hint = false} : vector<1024x128xbf16>, vector<128x512xbf16>, vector<1024x512xf32> -> vector<1024x512xf32>
    %add3A_202 = arith.addf %dot_general3A_196, %dot_general3A_201 : vector<1024x512xf32>
    %get3A_203 = arith.constant 0 : index
    %get3A_204 = arith.constant 0 : index
    %get3A_205 = vector.load %arg20[%get3A_203, %get3A_204] : memref<1x512xf32, #tpu.memory_space<vmem>>, vector<1x512xf32>
    %add3A_206 = vector.broadcast %get3A_205 : vector<1x512xf32> to vector<1024x512xf32>
    %add3A_207 = arith.addf %add3A_202, %add3A_206 : vector<1024x512xf32>
    %slice3A_208 = vector.extract_strided_slice %add3A_207 {offsets = [0, 0], sizes = [1024, 128], strides = [1, 1]} : vector<1024x512xf32> to vector<1024x128xf32>
    %mul3A_209 = arith.constant 5.000000e-01 : f32
    %mul3A_210 = vector.broadcast %mul3A_209 : f32 to vector<1024x128xf32>
    %mul3A_211 = arith.mulf %mul3A_210, %slice3A_208 : vector<1024x128xf32>
    %tanh3A_212 = math.tanh %mul3A_211 : vector<1024x128xf32>
    %mul3A_213 = arith.constant 5.000000e-01 : f32
    %mul3A_214 = vector.broadcast %mul3A_213 : f32 to vector<1024x128xf32>
    %mul3A_215 = arith.mulf %mul3A_214, %tanh3A_212 : vector<1024x128xf32>
    %add3A_216 = arith.constant 5.000000e-01 : f32
    %add3A_217 = vector.broadcast %add3A_216 : f32 to vector<1024x128xf32>
    %add3A_218 = arith.addf %mul3A_215, %add3A_217 : vector<1024x128xf32>
    %slice3A_219 = vector.extract_strided_slice %add3A_207 {offsets = [0, 128], sizes = [1024, 128], strides = [1, 1]} : vector<1024x512xf32> to vector<1024x128xf32>
    %mul3A_220 = arith.constant 5.000000e-01 : f32
    %mul3A_221 = vector.broadcast %mul3A_220 : f32 to vector<1024x128xf32>
    %mul3A_222 = arith.mulf %mul3A_221, %slice3A_219 : vector<1024x128xf32>
    %tanh3A_223 = math.tanh %mul3A_222 : vector<1024x128xf32>
    %mul3A_224 = arith.constant 5.000000e-01 : f32
    %mul3A_225 = vector.broadcast %mul3A_224 : f32 to vector<1024x128xf32>
    %mul3A_226 = arith.mulf %mul3A_225, %tanh3A_223 : vector<1024x128xf32>
    %add3A_227 = arith.constant 5.000000e-01 : f32
    %add3A_228 = vector.broadcast %add3A_227 : f32 to vector<1024x128xf32>
    %add3A_229 = arith.addf %mul3A_226, %add3A_228 : vector<1024x128xf32>
    %slice3A_230 = vector.extract_strided_slice %add3A_207 {offsets = [0, 256], sizes = [1024, 128], strides = [1, 1]} : vector<1024x512xf32> to vector<1024x128xf32>
    %tanh3A_231 = math.tanh %slice3A_230 : vector<1024x128xf32>
    %slice3A_232 = vector.extract_strided_slice %add3A_207 {offsets = [0, 384], sizes = [1024, 128], strides = [1, 1]} : vector<1024x512xf32> to vector<1024x128xf32>
    %mul3A_233 = arith.constant 5.000000e-01 : f32
    %mul3A_234 = vector.broadcast %mul3A_233 : f32 to vector<1024x128xf32>
    %mul3A_235 = arith.mulf %mul3A_234, %slice3A_232 : vector<1024x128xf32>
    %tanh3A_236 = math.tanh %mul3A_235 : vector<1024x128xf32>
    %mul3A_237 = arith.constant 5.000000e-01 : f32
    %mul3A_238 = vector.broadcast %mul3A_237 : f32 to vector<1024x128xf32>
    %mul3A_239 = arith.mulf %mul3A_238, %tanh3A_236 : vector<1024x128xf32>
    %add3A_240 = arith.constant 5.000000e-01 : f32
    %add3A_241 = vector.broadcast %add3A_240 : f32 to vector<1024x128xf32>
    %add3A_242 = arith.addf %mul3A_239, %add3A_241 : vector<1024x128xf32>
    %mul3A_243 = arith.mulf %add3A_229, %get3A_191 : vector<1024x128xf32>
    %mul3A_244 = arith.mulf %add3A_218, %tanh3A_231 : vector<1024x128xf32>
    %add3A_245 = arith.addf %mul3A_243, %mul3A_244 : vector<1024x128xf32>
    %tanh3A_246 = math.tanh %add3A_245 : vector<1024x128xf32>
    %mul3A_247 = arith.mulf %add3A_242, %tanh3A_246 : vector<1024x128xf32>
    %swap3A = arith.constant 0 : index
    %swap3A_248 = arith.constant 0 : index
    %swap3A_249 = vector.load %arg27[%swap3A, %swap3A_248] : memref<1024x128xf32, #tpu.memory_space<vmem>>, vector<1024x128xf32>
    tpu.vector_store %arg27[%swap3A, %swap3A_248], %mul3A_188 {strides = array<i32>} : memref<1024x128xf32, #tpu.memory_space<vmem>>, vector<1024x128xf32>,
    %swap3A_250 = arith.constant 0 : index
    %swap3A_251 = arith.constant 0 : index
    %swap3A_252 = vector.load %arg28[%swap3A_250, %swap3A_251] : memref<1024x128xf32, #tpu.memory_space<vmem>>, vector<1024x128xf32>
    tpu.vector_store %arg28[%swap3A_250, %swap3A_251], %add3A_186 {strides = array<i32>} : memref<1024x128xf32, #tpu.memory_space<vmem>>, vector<1024x128xf32>,
    %swap3A_253 = arith.constant 0 : index
    %swap3A_254 = arith.constant 0 : index
    %swap3A_255 = vector.load %arg29[%swap3A_253, %swap3A_254] : memref<1024x128xf32, #tpu.memory_space<vmem>>, vector<1024x128xf32>
    tpu.vector_store %arg29[%swap3A_253, %swap3A_254], %mul3A_247 {strides = array<i32>} : memref<1024x128xf32, #tpu.memory_space<vmem>>, vector<1024x128xf32>,
    %swap3A_256 = arith.constant 0 : index
    %swap3A_257 = arith.constant 0 : index
    %swap3A_258 = vector.load %arg30[%swap3A_256, %swap3A_257] : memref<1024x128xf32, #tpu.memory_space<vmem>>, vector<1024x128xf32>
    tpu.vector_store %arg30[%swap3A_256, %swap3A_257], %add3A_245 {strides = array<i32>} : memref<1024x128xf32, #tpu.memory_space<vmem>>, vector<1024x128xf32>,
    %eq3A_259 = arith.constant 0 : i32
    %eq3A_260 = arith.cmpi eq, %arg0, %eq3A_259 : i32
    %convert_element_type3A_261 = arith.extui %eq3A_260 : i1 to i32
    %cond3A = arith.constant 0 : i32
    %cond3A_262 = arith.cmpi ne, %convert_element_type3A_261, %cond3A : i32
    scf.if %cond3A_262 {
      %swap3A_275 = arith.constant 0.000000e+00 : f32
      %swap3A_276 = arith.constant 0 : index
      %swap3A_277 = arith.constant 0 : index
      %swap3A_278 = memref.load %arg26[%swap3A_276, %swap3A_277] : memref<1x1xf32, #tpu.memory_space<smem>>
      memref.store %swap3A_275, %arg26[%swap3A_276, %swap3A_277] : memref<1x1xf32, #tpu.memory_space<smem>>
    } else {
    }
    %get3A_263 = arith.constant 0 : index
    %get3A_264 = arith.constant 0 : index
    %get3A_265 = memref.load %arg26[%get3A_263, %get3A_264] : memref<1x1xf32, #tpu.memory_space<smem>>
    %add3A_266 = arith.addf %get3A_265, %reduce_sum3A_129 : f32
    %swap3A_267 = arith.constant 0 : index
    %swap3A_268 = arith.constant 0 : index
    %swap3A_269 = memref.load %arg26[%swap3A_267, %swap3A_268] : memref<1x1xf32, #tpu.memory_space<smem>>
    memref.store %add3A_266, %arg26[%swap3A_267, %swap3A_268] : memref<1x1xf32, #tpu.memory_space<smem>>
    %eq3A_270 = arith.constant 15 : i32
    %eq3A_271 = arith.cmpi eq, %arg0, %eq3A_270 : i32
    %convert_element_type3A_272 = arith.extui %eq3A_271 : i1 to i32
    %cond3A_273 = arith.constant 0 : i32
    %cond3A_274 = arith.cmpi ne, %convert_element_type3A_272, %cond3A_273 : i32
    scf.if %cond3A_274 {
      %get3A_275 = arith.constant 0 : index
      %get3A_276 = arith.constant 0 : index
      %get3A_277 = memref.load %arg26[%get3A_275, %get3A_276] : memref<1x1xf32, #tpu.memory_space<smem>>
      %mul3A_278 = arith.constant 7.62939453E-6 : f32
      %mul3A_279 = arith.mulf %get3A_277, %mul3A_278 : f32
      %swap3A_280 = arith.constant 0 : index
      %swap3A_281 = arith.constant 0 : index
      %swap3A_282 = memref.load %arg26[%swap3A_280, %swap3A_281] : memref<1x1xf32, #tpu.memory_space<smem>>
      memref.store %mul3A_279, %arg26[%swap3A_280, %swap3A_281] : memref<1x1xf32, #tpu.memory_space<smem>>
    } else {
    }
    return
  }
  func.func @transform_0(%arg0: i32) -> (i32, i32) {
    %c0_i32 = arith.constant 0 : i32
    %c0_i32_0 = arith.constant 0 : i32
    return %arg0, %c0_i32 : i32, i32
  }
  func.func @transform_1(%arg0: i32) -> (i32, i32) {
    %c0_i32 = arith.constant 0 : i32
    %c0_i32_0 = arith.constant 0 : i32
    return %arg0, %c0_i32 : i32, i32
  }
  func.func @transform_2(%arg0: i32) -> (i32, i32) {
    %c0_i32 = arith.constant 0 : i32
    %c0_i32_0 = arith.constant 0 : i32
    return %arg0, %c0_i32 : i32, i32
  }
  func.func @transform_3(%arg0: i32) -> (i32, i32) {
    %c0_i32 = arith.constant 0 : i32
    %c0_i32_0 = arith.constant 0 : i32
    return %arg0, %c0_i32 : i32, i32
  }
  func.func @transform_4(%arg0: i32) -> (i32, i32) {
    %c0_i32 = arith.constant 0 : i32
    %c0_i32_0 = arith.constant 0 : i32
    return %arg0, %c0_i32 : i32, i32
  }
  func.func @transform_5(%arg0: i32) -> (i32, i32) {
    %c0_i32 = arith.constant 0 : i32
    %c0_i32_0 = arith.constant 0 : i32
    return %arg0, %c0_i32 : i32, i32
  }
  func.func @transform_6(%arg0: i32) -> (i32, i32) {
    %c0_i32 = arith.constant 0 : i32
    %c0_i32_0 = arith.constant 0 : i32
    return %arg0, %c0_i32 : i32, i32
  }
  func.func @transform_7(%arg0: i32) -> (i32, i32) {
    %c0_i32 = arith.constant 0 : i32
    %c0_i32_0 = arith.constant 0 : i32
    return %arg0, %c0_i32 : i32, i32
  }
  func.func @transform_8(%arg0: i32) -> (i32, i32) {
    %c0_i32 = arith.constant 0 : i32
    %c0_i32_0 = arith.constant 0 : i32
    %c0_i32_1 = arith.constant 0 : i32
    return %c0_i32, %c0_i32_0 : i32, i32
  }
  func.func @transform_9(%arg0: i32) -> (i32, i32) {
    %c0_i32 = arith.constant 0 : i32
    %c0_i32_0 = arith.constant 0 : i32
    %c0_i32_1 = arith.constant 0 : i32
    return %c0_i32, %c0_i32_0 : i32, i32
  }
  func.func @transform_10(%arg0: i32) -> (i32, i32) {
    %c0_i32 = arith.constant 0 : i32
    %c0_i32_0 = arith.constant 0 : i32
    %c0_i32_1 = arith.constant 0 : i32
    return %c0_i32, %c0_i32_0 : i32, i32
  }
  func.func @transform_11(%arg0: i32) -> (i32, i32) {
    %c0_i32 = arith.constant 0 : i32
    %c0_i32_0 = arith.constant 0 : i32
    %c0_i32_1 = arith.constant 0 : i32
    return %c0_i32, %c0_i32_0 : i32, i32
  }
  func.func @transform_12(%arg0: i32) -> (i32, i32) {
    %c0_i32 = arith.constant 0 : i32
    %c0_i32_0 = arith.constant 0 : i32
    %c0_i32_1 = arith.constant 0 : i32
    return %c0_i32, %c0_i32_0 : i32, i32
  }
  func.func @transform_13(%arg0: i32) -> (i32, i32) {
    %c0_i32 = arith.constant 0 : i32
    %c0_i32_0 = arith.constant 0 : i32
    %c0_i32_1 = arith.constant 0 : i32
    return %c0_i32, %c0_i32_0 : i32, i32
  }
  func.func @transform_14(%arg0: i32) -> (i32, i32) {
    %c0_i32 = arith.constant 0 : i32
    %c0_i32_0 = arith.constant 0 : i32
    %c0_i32_1 = arith.constant 0 : i32
    return %c0_i32, %c0_i32_0 : i32, i32
  }
  func.func @transform_15(%arg0: i32) -> (i32, i32) {
    %c0_i32 = arith.constant 0 : i32
    %c0_i32_0 = arith.constant 0 : i32
    %c0_i32_1 = arith.constant 0 : i32
    return %c0_i32, %c0_i32_0 : i32, i32
  }
  func.func @transform_16(%arg0: i32) -> (i32, i32) {
    %c0_i32 = arith.constant 0 : i32
    %c0_i32_0 = arith.constant 0 : i32
    %c0_i32_1 = arith.constant 0 : i32
    return %c0_i32, %c0_i32_0 : i32, i32
  }
  func.func @transform_17(%arg0: i32) -> (i32, i32) {
    %c0_i32 = arith.constant 0 : i32
    %c0_i32_0 = arith.constant 0 : i32
    %c0_i32_1 = arith.constant 0 : i32
    return %c0_i32, %c0_i32_0 : i32, i32
  }
  func.func @transform_18(%arg0: i32) -> (i32, i32) {
    %c0_i32 = arith.constant 0 : i32
    %c0_i32_0 = arith.constant 0 : i32
    %c0_i32_1 = arith.constant 0 : i32
    return %c0_i32, %c0_i32_0 : i32, i32
  }
  func.func @transform_19(%arg0: i32) -> (i32, i32) {
    %c0_i32 = arith.constant 0 : i32
    %c0_i32_0 = arith.constant 0 : i32
    %c0_i32_1 = arith.constant 0 : i32
    return %c0_i32, %c0_i32_0 : i32, i32
  }
  func.func @transform_20(%arg0: i32) -> i32 {
    %c0_i32 = arith.constant 0 : i32
    %c0_i32_0 = arith.constant 0 : i32
    return %c0_i32 : i32
  }
  func.func @transform_25(%arg0: i32) -> (i32, i32) {
    %c0_i32 = arith.constant 0 : i32
    %c0_i32_0 = arith.constant 0 : i32
    %c0_i32_1 = arith.constant 0 : i32
    return %c0_i32, %c0_i32_0 : i32, i32
  }
  func.func @transform_26(%arg0: i32) -> (i32, i32) {
    %c0_i32 = arith.constant 0 : i32
    %c0_i32_0 = arith.constant 0 : i32
    return %arg0, %c0_i32 : i32, i32
  }
  func.func @transform_27(%arg0: i32) -> (i32, i32) {
    %c0_i32 = arith.constant 0 : i32
    %c0_i32_0 = arith.constant 0 : i32
    return %arg0, %c0_i32 : i32, i32
  }
  func.func @transform_28(%arg0: i32) -> (i32, i32) {
    %c0_i32 = arith.constant 0 : i32
    %c0_i32_0 = arith.constant 0 : i32
    return %arg0, %c0_i32 : i32, i32
  }
  func.func @transform_29(%arg0: i32) -> (i32, i32) {
    %c0_i32 = arith.constant 0 : i32
    %c0_i32_0 = arith.constant 0 : i32
    return %arg0, %c0_i32 : i32, i32
  }
}

</mosaic_0001>

<sc_bundles>
// kernel: kernel.4.cloned.1.call-start
scs
__scs_entry_jumppad:
0x0: {  	(pc) =	sbr.rel $0x88, $3  }
0x1: {  	(tag) =	ssettag $0x0;
	lr =	simm.s32 $0x1  }
0x2: {  	[smem:$0x3F87] =	sst lr;
	_ =	strace $0xD0000000  }
0x3: {  	_ = 	snop  }
0x4: {  	_ = 	snop  }
0x5: {  	_ = 	snop  }
0x6: {  	_ = 	snop  }
0x7: {  	_ = 	snop  }
__scs_overlays_trampoline_lowered:
0x8: {  	[smem:$0x3F96] =	sst s0  }
0x9: {  	[smem:$0x3F97] =	sst s1  }
0xa: {  	[smem:$0x3F98] =	sst s2  }
0xb: {  	[smem:$0x3F99] =	sst s3  }
0xc: {  	[smem:$0x3F9A] =	sst s4  }
0xd: {  	[smem:$0x3F9B] =	sst s5  }
0xe: {  	[smem:$0x3F9C] =	sst s6  }
0xf: {  	[smem:$0x3F9D] =	sst s7  }
0x10: {  	[smem:$0x3F9E] =	sst s8  }
0x11: {  	[smem:$0x3F9F] =	sst s9;
	s0 =	simm.s32 @!p0 $0x0  }
0x12: {  	s1 =	sld [smem:$0x3F85];
	s0 =	simm.s32 @p0 $0x1  }
0x13: {  	[smem:$0x3FA0] =	sst s0;
	s0 =	simm.s32 @!p1 $0x0  }
0x14: {  	s2 =	sld [smem:$0x3F84];
	s0 =	simm.s32 @p1 $0x1  }
0x15: {  	[smem:$0x3FA1] =	sst s0;
	s0 =	simm.s32 @!p2 $0x0  }
0x16: {  	s3 =	sld [smem:$0x3FDB];
	s0 =	simm.s32 @p2 $0x1  }
0x17: {  	s4 =	simm.s32 $0x1BF5;
	[smem:$0x3FA3] =	sst s0  }
0x18: {  	s0 =	sld [smem:$0x3F86];
	_ =	swait.ge [sflag:s4], $0x0  }
0x19: {  	s7 =	sld [smem:$0x3F87]  }
0x1a: {  	s8 =	sadd.s32 $0xFFFFE003, lr  }
0x1b: {  	s9 =	sadd.s32 $0xFFFFFEF7, lr;
	s5 =	simm.s32 $0xFFFFFFFF;
	p2 =	slt.u32 s8, $0xFFFFF086  }
0x1c: {  	p1 =	slt.u32 s9, $0xF7A;
	s5 =	simm.s32 @!p2 $0x0  }
0x1d: {  	s5 =	simm.s32 @p1 $0x1;
	p0 =	seq.s32 s7, s2  }
0x1e: {  	s7 =	smul.u32 @!p0 $0xF7A, s2;
	p2 =	seq.s32 @!p0 s5, $0x0  }
0x1f: {  	s9 =	smul.u32 $0xF7A, s1;
	s8 =	simm.s32 @!p0 $0x1BF5;
	p2 =	por !p2, p0  }
0x20: {  	[sflag:s8] =	ssyncset.s32 @!p0 $0xFFFFF086;
	s6 =	sadd.s32 @!p0 s3, s7;
	s7 =	simm.s32 @!p0 $0x108  }
0x21: {  	s3 =	sadd.s32 s3, s9;
	s6 =	sadd.s32 @!p0 $0x88, s6;
	s7 =	simm.s32 @p2 $0x1082  }
0x22: {  	[simem:s7], [sflag:s8] =	dma.local @!p0 [hbm:s6], $0xF7A  }
0x23: {  	s9 =	sor.u32 $0xD0000000, s2;
	s6 =	simm.s32 $0x108;
	_ =	swait.ge @!p0 [sflag:s8], $0x0  }
0x24: {  	s3 =	sadd.s32 $0x88, s3;
	s6 =	simm.s32 @!p1 $0x1082;
	[sflag:s4] =	ssyncset.s32 $0xFFFFF086  }
0x25: {  	[simem:s6], [sflag:s4] =	dma.local [hbm:s3], $0xF7A  }
0x26: {  	[smem:$0x3F87] =	sst s1;
	(tag) =	ssettag s2;
	_ =	strace s9  }
0x27: {  	s1 =	sld [smem:$0x3F97]  }
0x28: {  	s2 =	sld [smem:$0x3F98]  }
0x29: {  	s4 =	sld [smem:$0x3F9A]  }
0x2a: {  	p0 =	seq.s32 s5, $0x0;
	s5 =	sld [smem:$0x3F9B]  }
0x2b: {  	s6 =	sld [smem:$0x3F9C]  }
0x2c: {  	s7 =	sld [smem:$0x3F9D]  }
0x2d: {  	s3 =	simm.s32 $0x108;
	s8 =	sld [smem:$0x3F9E]  }
0x2e: {  	s3 =	simm.s32 @!p0 $0x1082;
	s9 =	sld [smem:$0x3F9F]  }
0x2f: {  	lr =	sadd.s32 s0, s3;
	s0 =	sld [smem:$0x3F96]  }
0x30: {  	s3 =	sld [smem:$0x3F99]  }
0x31: {  	[smem:$0x3FA2] =	sst s10  }
0x32: {  	s10 =	sld [smem:$0x3FA0];
	_ =	sdelay $0x3  }
0x33: {  	p0 =	seq.s32 s10, $0x1;
	s10 =	sld [smem:$0x3FA2];
	_ =	sdelay $0x3  }
0x34: {  	[smem:$0x3FA2] =	sst s10  }
0x35: {  	s10 =	sld [smem:$0x3FA1];
	_ =	sdelay $0x3  }
0x36: {  	p1 =	seq.s32 s10, $0x1;
	s10 =	sld [smem:$0x3FA2];
	_ =	sdelay $0x3  }
0x37: {  	[smem:$0x3FA2] =	sst s10  }
0x38: {  	s10 =	sld [smem:$0x3FA3]  }
0x39: {  	_ = 	snop;
	(pc) =	sbr.ind lr, $3  }
0x3a: {  	_ = 	snop  }
0x3b: {  	_ = 	snop  }
0x3c: {  	p2 =	seq.s32 s10, $0x1;
	s10 =	sld [smem:$0x3FA2]  }
0x3d: {  	_ =	shalt  }
0x3e: {  	_ =	shalt  }
0x3f: {  	_ =	shalt  }
0x40: {  	_ =	shalt  }
0x41: {  	_ =	shalt  }
0x42: {  	_ =	shalt  }
0x43: {  	_ =	shalt  }
0x44: {  	_ =	shalt  }
0x45: {  	_ =	shalt  }
0x46: {  	_ =	shalt  }
0x47: {  	_ =	shalt  }
0x48: {  	_ =	shalt  }
0x49: {  	_ =	shalt  }
0x4a: {  	_ =	shalt  }
0x4b: {  	_ =	shalt  }
0x4c: {  	_ =	shalt  }
0x4d: {  	_ =	shalt  }
0x4e: {  	_ =	shalt  }
0x4f: {  	_ =	shalt  }
0x50: {  	_ =	shalt  }
0x51: {  	_ =	shalt  }
0x52: {  	_ =	shalt  }
0x53: {  	_ =	shalt  }
0x54: {  	_ =	shalt  }
0x55: {  	_ =	shalt  }
0x56: {  	_ =	shalt  }
0x57: {  	_ =	shalt  }
0x58: {  	_ =	shalt  }
0x59: {  	_ =	shalt  }
0x5a: {  	_ =	shalt  }
0x5b: {  	_ =	shalt  }
0x5c: {  	_ =	shalt  }
0x5d: {  	_ =	shalt  }
0x5e: {  	_ =	shalt  }
0x5f: {  	_ =	shalt  }
0x60: {  	_ =	shalt  }
0x61: {  	_ =	shalt  }
0x62: {  	_ =	shalt  }
0x63: {  	_ =	shalt  }
0x64: {  	_ =	shalt  }
0x65: {  	_ =	shalt  }
0x66: {  	_ =	shalt  }
0x67: {  	_ =	shalt  }
0x68: {  	_ =	shalt  }
0x69: {  	_ =	shalt  }
0x6a: {  	_ =	shalt  }
0x6b: {  	_ =	shalt  }
0x6c: {  	_ =	shalt  }
0x6d: {  	_ =	shalt  }
0x6e: {  	_ =	shalt  }
0x6f: {  	_ =	shalt  }
0x70: {  	_ =	shalt  }
0x71: {  	_ =	shalt  }
0x72: {  	_ =	shalt  }
0x73: {  	_ =	shalt  }
0x74: {  	_ =	shalt  }
0x75: {  	_ =	shalt  }
0x76: {  	_ =	shalt  }
0x77: {  	_ =	shalt  }
0x78: {  	_ =	shalt  }
0x79: {  	_ =	shalt  }
0x7a: {  	_ =	shalt  }
0x7b: {  	_ =	shalt  }
0x7c: {  	_ =	shalt  }
0x7d: {  	_ =	shalt  }
0x7e: {  	_ =	shalt  }
0x7f: {  	_ =	shalt  }
0x80: {  	_ =	shalt  }
0x81: {  	_ =	shalt  }
0x82: {  	_ =	shalt  }
0x83: {  	_ =	shalt  }
0x84: {  	_ =	shalt  }
0x85: {  	_ =	shalt  }
0x86: {  	_ =	shalt  }
0x87: {  	_ =	shalt  }
.Lfunc_end0:
.L_simem_size_0:
called_computation_lowered:
.L_overlay_start_0:
0x88: {  	s2 =	sld [smem:$0x3FD9]  }
0x89: {  	s3 =	sld [smem:$0x3FFE];
	_ =	sdelay $0x1  }
0x8a: {  	s1 =	srdreg.scid  }
0x8b: {  	s0 =	sand.u32 $0x1, s1  }
0x8c: {  	s14 =	sshll.u32 s0, $0xA;
	s2 =	sadd.s32 s3, s2  }
0x8d: {  	s2 =	sadd.s32 s2, s14  }
0x8e: {  	[smem:$0x3FAE] =	sst s2  }
0x8f: {  	_ = 	snop  }
0x90: {  	s2 =	sld [smem:$0x3FC5]  }
0x91: {  	s5 =	sld [smem:$0x3FD0]  }
0x92: {  	s15 =	sld [smem:$0x3FC4]  }
0x93: {  	s4 =	sld [smem:$0x3FC3]  }
0x94: {  	s7 =	simm.s32 $0xA;
	s8 =	simm.s32 $0x10;
	s6 =	sld [smem:$0x3FB8]  }
0x95: {  	[smem:s8], [sflag:s7] =	dma.local [hbm:s5], $0x1  }
0x96: {  	_ =	swait.eq [sflag:s7], $0x1  }
0x97: {  	s16 =	sld [smem:$0x11]  }
0x98: {  	s17 =	sld [smem:$0x12];
	[sflag:s7] =	ssyncset.done $0x0  }
0x99: {  	s9 =	sld [smem:$0x13];
	[sflag:s7] =	ssyncadd.s32 $0xFFFFFFFF  }
0x9a: {  	s18 =	sld [smem:$0x14];
	(tm) =	ssettm $0x1  }
0x9b: {  	s10 =	sld [smem:$0x3FFB];
	_ =	sdelay $0x3  }
0x9c: {  	_ =	strace s10  }
0x9d: {  	s10 =	sld [smem:$0x3FFC];
	_ =	sdelay $0x3  }
0x9e: {  	_ =	strace s10  }
0x9f: {  	s10 =	sld [smem:$0x3FFD];
	_ =	sdelay $0x3  }
0xa0: {  	_ =	strace s10  }
0xa1: {  	_ =	strace $0x8FFFFFFF  }
0xa2: {  	s19 =	sld [smem:$0x3FDB];
	_ =	sdelay $0x1  }
0xa3: {  	s11 =	simm.s32 $_scs_section_size  }
0xa4: {  	s12 =	simm.s32 $_size__tile_overlayer_lowered;
	s13 =	simm.s32 $_tile_overlayer_lowered  }
0xa5: {  	s22 =	simm.s32 $0x1BFF;
	s21 =	sshll.u32 s13, $0x1;
	s10 =	sadd.s32 s11, s19  }
0xa6: {  	s20 =	sshll.u32 s12, $0x1;
	s14 =	simm.s32 $0x0;
	s12 =	sadd.s32 s21, s10  }
0xa7: {  	[timem:s14], [sflag:s22] =	dma.local [hbm:s12], s20  }
0xa8: {  	_ =	swait.ge [sflag:s22], s20  }
0xa9: {  	s11 =	ssub.s32 $0x0, s20;
	[sflag:s22] =	ssyncset.done $0x0  }
0xaa: {  	[sflag:s22] =	ssyncadd.s32 s11;
	_ =	sdelay $0x1  }
0xab: {  	s23 =	simm.s32 $0x1B8B  }
0xac: {  	_ =	swait.ge [sflag:s23], $0x1  }
0xad: {  	[sflag:s23] =	ssyncset.done $0x0  }
0xae: {  	s25 =	simm.s32 $0x1B8E;
	s24 =	sld [smem:$0x3FFE];
	[sflag:s23] =	ssyncadd.s32 $0xFFFFFFFF  }
0xaf: {  	s26 =	simm.s32 $execute0_lowered;
	[smem:$0x3FD2] =	sst s25  }
0xb0: {  	s12 =	sshll.u32 s26, $0x1;
	_ =	strace $0x80000046;
	[dreg:$0x1] =	wrdreg $0xFFFFFFFF  }
0xb1: {  	s28 =	simm.s32 $_size_execute0_lowered;
	s10 =	sadd.s32 s10, s12;
	[dreg:$0x0] =	wrdreg $0x0  }
0xb2: {  	s12 =	sshll.u32 s28, $0x1;
	[dreg:$0x2] =	wrdreg s10  }
0xb3: {  	[dreg:$0x3] =	wrdreg s12  }
0xb4: {  	[dreg:$0x4] =	wrdreg $0xC0  }
0xb5: {  	_ =	task [dreg:s14], $0x5FFFF  }
0xb6: {  	[dreg:$0x1] =	wrdreg $0xFFFFFFFF  }
0xb7: {  	[dreg:$0x0] =	wrdreg $0x60  }
0xb8: {  	[dreg:$0x2] =	wrdreg s16  }
0xb9: {  	[dreg:$0x3] =	wrdreg s17  }
0xba: {  	[dreg:$0x4] =	wrdreg s9  }
0xbb: {  	[dreg:$0x5] =	wrdreg s18  }
0xbc: {  	[dreg:$0x6] =	wrdreg s6  }
0xbd: {  	[dreg:$0x7] =	wrdreg s2  }
0xbe: {  	[dreg:$0x8] =	wrdreg s15  }
0xbf: {  	[dreg:$0x9] =	wrdreg s4  }
0xc0: {  	[dreg:$0xa] =	wrdreg s24  }
0xc1: {  	[dreg:$0xb] =	wrdreg $0x9  }
0xc2: {  	_ =	task.clear_ibuf [dreg:s14], $0xCFFFF;
	_ =	strace $0x90000046  }
0xc3: {  	s29 =	simm.s32 $0x9;
	_ =	strace $0x80000048  }
0xc4: {  	_ =	swait.ge [sflag:s29], $0x1  }
0xc5: {  	[sflag:s29] =	ssyncadd.s32 $0xFFFFFFFF  }
0xc6: {  	_ =	strace $0x90000048  }
0xc7: {  	_ =	sfence  }
0xc8: {  	s30 =	sld [smem:$0x0];
	_ =	sdelay $0x2  }
0xc9: {  	s31 =	sshll.u32 s1, $0xD;
	s1 =	sshrl.u32 s1, $0x2  }
0xca: {  	s3 =	sand.u32 $0x4000, s31;
	s1 =	sadd.s32 s1, s30  }
0xcb: {  	s0 =	sor.u32 s3, s0;
	s1 =	sshll.u32 s1, $0x11  }
0xcc: {  	s0 =	sor.u32 s1, s0  }
0xcd: {  	s0 =	sadd.s32 $0x8F2B, s0  }
0xce: {  	[sflag:s0] =	ssyncadd.remote.s32 $0x1  }
0xcf: {  	_ =	sfence.sel $0xFFFF  }
0xd0: {  	[dreg:$0x0] =	wrdreg $0xFFFFFFFF;
	(pc) =	sbr.abs _section_cstart, $3  }
0xd1: {  	[dreg:$0x1] =	wrdreg $0xFFFFFFFF  }
0xd2: {  	_ =	task.clear_ibuf [dreg:s14], $0x2FFFF;
	_ =	strace $0x9FFFFFFF  }
0xd3: {  	(tm) =	ssettm $0x7FFFFFFF  }
tec
execute0_lowered:
.L_overlay_start_1:
0x0: {  	(tag) =	ssettag $0x1  }
0x1: {  	s0 =	rddreg [dreg:$0x0]  }
0x2: {  	s1 =	rddreg [dreg:$0x1]  }
0x3: {  	s2 =	rddreg [dreg:$0x2]  }
0x4: {  	s4 =	rddreg [dreg:$0x3]  }
0x5: {  	s5 =	rddreg [dreg:$0x4];
	s6 =	srdreg.scid  }
0x6: {  	s16 =	rddreg [dreg:$0x5];
	s3 =	stileid.u32;
	s30 =	sand.u32 $0x1, s6  }
0x7: {  	s22 =	rddreg [dreg:$0x6];
	s25 =	sshll.u32 s3, $0xA;
	s7 =	sshll.u32 s30, $0x9  }
0x8: {  	s29 =	rddreg [dreg:$0x7];
	s6 =	sor.u32 s7, s25  }
0x9: {  	s8 =	rddreg [dreg:$0x8];
	s7 =	simm.s32 $0x0;
	s9 =	sshll.u32 s6, $0x4  }
0xa: {  	[smem:$0x7FF] =	sst s7;
	s25 =	sshrl.u32 s6, $0x3;
	s31 =	sadd.s32 s9, s8  }
0xb: {  	_ =	strace $0x80000047;
	s8 =	sadd.s32 s16, s25;
	s26 =	sadd.s32 $0x3000, s31  }
0xc: {  	[tilespmem:s7], [sflag:$0x2] =	stream.linear.gather [hbm4b:s8+s7], $0x80, $0x38;
	[tilespmem:$0x10080] =	vst v63  }
0xd: {  	s9 =	simm.s32 $0x2;
	[dreg:$0xa] =	wrdreg s26  }
0xe: {  	_ =	swait.ge [sflag:s9], $0x80  }
0xf: {  	[sflag:s9] =	ssyncset.done $0x0  }
0x10: {  	s10 =	simm.s32 $0x80;
	s11 =	simm.s32 $0x1;
	[sflag:s9] =	ssyncadd.s32 $0xFFFFFF80  }
0x11: {  	[tilespmem:s10], [sflag:$0x1] =	stream.indirect.gather [hbm4b:s0+s10], $0x80, s7, s10, $0xb8;
	[tilespmem:$0x10080] =	vst v63  }
0x12: {  	_ =	swait.ge [sflag:s11], $0x4000  }
0x13: {  	s26 =	sor.u32 $0x10, s25;
	[sflag:s11] =	ssyncset.done $0x0  }
0x14: {  	s12 =	sadd.s32 s16, s26;
	[sflag:s11] =	ssyncadd.s32 $0xFFFFC000  }
0x15: {  	[tilespmem:s7], [sflag:$0x2] =	stream.linear.gather [hbm4b:s12+s7], $0x80, $0x38;
	[tilespmem:$0x10080] =	vst v63  }
0x16: {  	_ =	swait.ge [sflag:s9], $0x80  }
0x17: {  	[sflag:s9] =	ssyncset.done $0x0  }
0x18: {  	s13 =	simm.s32 $0x4080;
	[sflag:s9] =	ssyncadd.s32 $0xFFFFFF80  }
0x19: {  	[tilespmem:s13], [sflag:$0x1] =	stream.indirect.gather [hbm4b:s0+s10], $0x80, s7, s10, $0xb8;
	[tilespmem:$0x10080] =	vst v63  }
0x1a: {  	_ =	swait.ge [sflag:s11], $0x4000  }
0x1b: {  	s28 =	sor.u32 $0x20, s25;
	[sflag:s11] =	ssyncset.done $0x0  }
0x1c: {  	s14 =	sadd.s32 s16, s28;
	[sflag:s11] =	ssyncadd.s32 $0xFFFFC000  }
0x1d: {  	[tilespmem:s7], [sflag:$0x2] =	stream.linear.gather [hbm4b:s14+s7], $0x80, $0x38;
	[tilespmem:$0x10080] =	vst v63  }
0x1e: {  	_ =	swait.ge [sflag:s9], $0x80  }
0x1f: {  	[sflag:s9] =	ssyncset.done $0x0  }
0x20: {  	s15 =	simm.s32 $0x8080;
	[sflag:s9] =	ssyncadd.s32 $0xFFFFFF80  }
0x21: {  	[tilespmem:s15], [sflag:$0x1] =	stream.indirect.gather [hbm4b:s0+s10], $0x80, s7, s10, $0xb8;
	[tilespmem:$0x10080] =	vst v63  }
0x22: {  	_ =	swait.ge [sflag:s11], $0x4000  }
0x23: {  	s6 =	sor.u32 $0x30, s25;
	[sflag:s11] =	ssyncset.done $0x0  }
0x24: {  	s16 =	sadd.s32 s16, s6;
	[sflag:s11] =	ssyncadd.s32 $0xFFFFC000  }
0x25: {  	[tilespmem:s7], [sflag:$0x2] =	stream.linear.gather [hbm4b:s16+s7], $0x80, $0x38;
	[tilespmem:$0x10080] =	vst v63  }
0x26: {  	_ =	swait.ge [sflag:s9], $0x80  }
0x27: {  	[sflag:s9] =	ssyncset.done $0x0  }
0x28: {  	s17 =	simm.s32 $0xC080;
	[sflag:s9] =	ssyncadd.s32 $0xFFFFFF80  }
0x29: {  	[tilespmem:s17], [sflag:$0x1] =	stream.indirect.gather [hbm4b:s0+s10], $0x80, s7, s10, $0xb8;
	[tilespmem:$0x10080] =	vst v63  }
0x2a: {  	_ =	swait.ge [sflag:s11], $0x4000  }
0x2b: {  	[sflag:s11] =	ssyncset.done $0x0  }
0x2c: {  	s18 =	rddreg [dreg:$0xa];
	[sflag:s11] =	ssyncadd.s32 $0xFFFFC000  }
0x2d: {  	[hbm4b:s18+s7] =	stream.linear.scatter [tilespmem:s10], [sflag:$0x2], $0x10000, $0x38;
	[tilespmem:$0x10080] =	vst v63  }
0x2e: {  	_ =	swait.ge [sflag:s9], $0x10000  }
0x2f: {  	[sflag:s9] =	ssyncset.done $0x0  }
0x30: {  	[sflag:s9] =	ssyncadd.s32 $0xFFFF0000  }
0x31: {  	[tilespmem:s7], [sflag:$0x2] =	stream.linear.gather [hbm4b:s8+s7], $0x80, $0x38;
	[tilespmem:$0x10080] =	vst v63  }
0x32: {  	_ =	swait.ge [sflag:s9], $0x80  }
0x33: {  	[sflag:s9] =	ssyncset.done $0x0  }
0x34: {  	[sflag:s9] =	ssyncadd.s32 $0xFFFFFF80  }
0x35: {  	[tilespmem:s10], [sflag:$0x1] =	stream.indirect.gather [hbm4b:s1+s10], $0x80, s7, s10, $0xb8;
	[tilespmem:$0x10080] =	vst v63  }
0x36: {  	_ =	swait.ge [sflag:s11], $0x4000  }
0x37: {  	[sflag:s11] =	ssyncset.done $0x0  }
0x38: {  	[sflag:s11] =	ssyncadd.s32 $0xFFFFC000  }
0x39: {  	[tilespmem:s7], [sflag:$0x2] =	stream.linear.gather [hbm4b:s12+s7], $0x80, $0x38;
	[tilespmem:$0x10080] =	vst v63  }
0x3a: {  	_ =	swait.ge [sflag:s9], $0x80  }
0x3b: {  	[sflag:s9] =	ssyncset.done $0x0  }
0x3c: {  	[sflag:s9] =	ssyncadd.s32 $0xFFFFFF80  }
0x3d: {  	[tilespmem:s13], [sflag:$0x1] =	stream.indirect.gather [hbm4b:s1+s10], $0x80, s7, s10, $0xb8;
	[tilespmem:$0x10080] =	vst v63  }
0x3e: {  	_ =	swait.ge [sflag:s11], $0x4000  }
0x3f: {  	[sflag:s11] =	ssyncset.done $0x0  }
0x40: {  	[sflag:s11] =	ssyncadd.s32 $0xFFFFC000  }
0x41: {  	[tilespmem:s7], [sflag:$0x2] =	stream.linear.gather [hbm4b:s14+s7], $0x80, $0x38;
	[tilespmem:$0x10080] =	vst v63  }
0x42: {  	_ =	swait.ge [sflag:s9], $0x80  }
0x43: {  	[sflag:s9] =	ssyncset.done $0x0  }
0x44: {  	[sflag:s9] =	ssyncadd.s32 $0xFFFFFF80  }
0x45: {  	[tilespmem:s15], [sflag:$0x1] =	stream.indirect.gather [hbm4b:s1+s10], $0x80, s7, s10, $0xb8;
	[tilespmem:$0x10080] =	vst v63  }
0x46: {  	_ =	swait.ge [sflag:s11], $0x4000  }
0x47: {  	[sflag:s11] =	ssyncset.done $0x0  }
0x48: {  	[sflag:s11] =	ssyncadd.s32 $0xFFFFC000  }
0x49: {  	[tilespmem:s7], [sflag:$0x2] =	stream.linear.gather [hbm4b:s16+s7], $0x80, $0x38;
	[tilespmem:$0x10080] =	vst v63  }
0x4a: {  	_ =	swait.ge [sflag:s9], $0x80  }
0x4b: {  	[sflag:s9] =	ssyncset.done $0x0  }
0x4c: {  	[sflag:s9] =	ssyncadd.s32 $0xFFFFFF80  }
0x4d: {  	[tilespmem:s17], [sflag:$0x1] =	stream.indirect.gather [hbm4b:s1+s10], $0x80, s7, s10, $0xb8;
	[tilespmem:$0x10080] =	vst v63  }
0x4e: {  	_ =	swait.ge [sflag:s11], $0x4000  }
0x4f: {  	[sflag:s11] =	ssyncset.done $0x0  }
0x50: {  	s18 =	sadd.s32 $0x43000, s31;
	[sflag:s11] =	ssyncadd.s32 $0xFFFFC000  }
0x51: {  	[hbm4b:s18+s7] =	stream.linear.scatter [tilespmem:s10], [sflag:$0x2], $0x10000, $0x38;
	[tilespmem:$0x10080] =	vst v63  }
0x52: {  	_ =	swait.ge [sflag:s9], $0x10000  }
0x53: {  	[sflag:s9] =	ssyncset.done $0x0  }
0x54: {  	s19 =	sadd.s32 s22, s25;
	[sflag:s9] =	ssyncadd.s32 $0xFFFF0000  }
0x55: {  	[tilespmem:s7], [sflag:$0x2] =	stream.linear.gather [hbm4b:s19+s7], $0x80, $0x38;
	[tilespmem:$0x10080] =	vst v63  }
0x56: {  	_ =	swait.ge [sflag:s9], $0x80  }
0x57: {  	[sflag:s9] =	ssyncset.done $0x0  }
0x58: {  	[sflag:s9] =	ssyncadd.s32 $0xFFFFFF80  }
0x59: {  	[tilespmem:s10], [sflag:$0x1] =	stream.indirect.gather [hbm4b:s2+s10], $0x80, s7, s10, $0xb8;
	[tilespmem:$0x10080] =	vst v63  }
0x5a: {  	_ =	swait.ge [sflag:s11], $0x4000  }
0x5b: {  	[sflag:s11] =	ssyncset.done $0x0  }
0x5c: {  	s20 =	sadd.s32 s22, s26;
	[sflag:s11] =	ssyncadd.s32 $0xFFFFC000  }
0x5d: {  	[tilespmem:s7], [sflag:$0x2] =	stream.linear.gather [hbm4b:s20+s7], $0x80, $0x38;
	[tilespmem:$0x10080] =	vst v63  }
0x5e: {  	_ =	swait.ge [sflag:s9], $0x80  }
0x5f: {  	[sflag:s9] =	ssyncset.done $0x0  }
0x60: {  	[sflag:s9] =	ssyncadd.s32 $0xFFFFFF80  }
0x61: {  	[tilespmem:s13], [sflag:$0x1] =	stream.indirect.gather [hbm4b:s2+s10], $0x80, s7, s10, $0xb8;
	[tilespmem:$0x10080] =	vst v63  }
0x62: {  	_ =	swait.ge [sflag:s11], $0x4000  }
0x63: {  	[sflag:s11] =	ssyncset.done $0x0  }
0x64: {  	s21 =	sadd.s32 s22, s28;
	[sflag:s11] =	ssyncadd.s32 $0xFFFFC000  }
0x65: {  	[tilespmem:s7], [sflag:$0x2] =	stream.linear.gather [hbm4b:s21+s7], $0x80, $0x38;
	[tilespmem:$0x10080] =	vst v63  }
0x66: {  	_ =	swait.ge [sflag:s9], $0x80  }
0x67: {  	[sflag:s9] =	ssyncset.done $0x0  }
0x68: {  	[sflag:s9] =	ssyncadd.s32 $0xFFFFFF80  }
0x69: {  	[tilespmem:s15], [sflag:$0x1] =	stream.indirect.gather [hbm4b:s2+s10], $0x80, s7, s10, $0xb8;
	[tilespmem:$0x10080] =	vst v63  }
0x6a: {  	_ =	swait.ge [sflag:s11], $0x4000  }
0x6b: {  	[sflag:s11] =	ssyncset.done $0x0  }
0x6c: {  	s22 =	sadd.s32 s22, s6;
	[sflag:s11] =	ssyncadd.s32 $0xFFFFC000  }
0x6d: {  	[tilespmem:s7], [sflag:$0x2] =	stream.linear.gather [hbm4b:s22+s7], $0x80, $0x38;
	[tilespmem:$0x10080] =	vst v63  }
0x6e: {  	_ =	swait.ge [sflag:s9], $0x80  }
0x6f: {  	[sflag:s9] =	ssyncset.done $0x0  }
0x70: {  	[sflag:s9] =	ssyncadd.s32 $0xFFFFFF80  }
0x71: {  	[tilespmem:s17], [sflag:$0x1] =	stream.indirect.gather [hbm4b:s2+s10], $0x80, s7, s10, $0xb8;
	[tilespmem:$0x10080] =	vst v63  }
0x72: {  	_ =	swait.ge [sflag:s11], $0x4000  }
0x73: {  	[sflag:s11] =	ssyncset.done $0x0  }
0x74: {  	s23 =	sadd.s32 $0x83000, s31;
	[sflag:s11] =	ssyncadd.s32 $0xFFFFC000  }
0x75: {  	[hbm4b:s23+s7] =	stream.linear.scatter [tilespmem:s10], [sflag:$0x2], $0x10000, $0x38;
	[tilespmem:$0x10080] =	vst v63  }
0x76: {  	_ =	swait.ge [sflag:s9], $0x10000  }
0x77: {  	[sflag:s9] =	ssyncset.done $0x0  }
0x78: {  	[sflag:s9] =	ssyncadd.s32 $0xFFFF0000  }
0x79: {  	[tilespmem:s7], [sflag:$0x2] =	stream.linear.gather [hbm4b:s19+s7], $0x80, $0x38;
	[tilespmem:$0x10080] =	vst v63  }
0x7a: {  	_ =	swait.ge [sflag:s9], $0x80  }
0x7b: {  	[sflag:s9] =	ssyncset.done $0x0  }
0x7c: {  	[sflag:s9] =	ssyncadd.s32 $0xFFFFFF80  }
0x7d: {  	[tilespmem:s10], [sflag:$0x1] =	stream.indirect.gather [hbm4b:s4+s10], $0x80, s7, s10, $0xb8;
	[tilespmem:$0x10080] =	vst v63  }
0x7e: {  	_ =	swait.ge [sflag:s11], $0x4000  }
0x7f: {  	[sflag:s11] =	ssyncset.done $0x0  }
0x80: {  	[sflag:s11] =	ssyncadd.s32 $0xFFFFC000  }
0x81: {  	[tilespmem:s7], [sflag:$0x2] =	stream.linear.gather [hbm4b:s20+s7], $0x80, $0x38;
	[tilespmem:$0x10080] =	vst v63  }
0x82: {  	_ =	swait.ge [sflag:s9], $0x80  }
0x83: {  	[sflag:s9] =	ssyncset.done $0x0  }
0x84: {  	[sflag:s9] =	ssyncadd.s32 $0xFFFFFF80  }
0x85: {  	[tilespmem:s13], [sflag:$0x1] =	stream.indirect.gather [hbm4b:s4+s10], $0x80, s7, s10, $0xb8;
	[tilespmem:$0x10080] =	vst v63  }
0x86: {  	_ =	swait.ge [sflag:s11], $0x4000  }
0x87: {  	[sflag:s11] =	ssyncset.done $0x0  }
0x88: {  	[sflag:s11] =	ssyncadd.s32 $0xFFFFC000  }
0x89: {  	[tilespmem:s7], [sflag:$0x2] =	stream.linear.gather [hbm4b:s21+s7], $0x80, $0x38;
	[tilespmem:$0x10080] =	vst v63  }
0x8a: {  	_ =	swait.ge [sflag:s9], $0x80  }
0x8b: {  	[sflag:s9] =	ssyncset.done $0x0  }
0x8c: {  	[sflag:s9] =	ssyncadd.s32 $0xFFFFFF80  }
0x8d: {  	[tilespmem:s15], [sflag:$0x1] =	stream.indirect.gather [hbm4b:s4+s10], $0x80, s7, s10, $0xb8;
	[tilespmem:$0x10080] =	vst v63  }
0x8e: {  	_ =	swait.ge [sflag:s11], $0x4000  }
0x8f: {  	[sflag:s11] =	ssyncset.done $0x0  }
0x90: {  	[sflag:s11] =	ssyncadd.s32 $0xFFFFC000  }
0x91: {  	[tilespmem:s7], [sflag:$0x2] =	stream.linear.gather [hbm4b:s22+s7], $0x80, $0x38;
	[tilespmem:$0x10080] =	vst v63  }
0x92: {  	_ =	swait.ge [sflag:s9], $0x80  }
0x93: {  	[sflag:s9] =	ssyncset.done $0x0  }
0x94: {  	[sflag:s9] =	ssyncadd.s32 $0xFFFFFF80  }
0x95: {  	[tilespmem:s17], [sflag:$0x1] =	stream.indirect.gather [hbm4b:s4+s10], $0x80, s7, s10, $0xb8;
	[tilespmem:$0x10080] =	vst v63  }
0x96: {  	_ =	swait.ge [sflag:s11], $0x4000  }
0x97: {  	[sflag:s11] =	ssyncset.done $0x0  }
0x98: {  	s24 =	sadd.s32 $0xC3000, s31;
	[sflag:s11] =	ssyncadd.s32 $0xFFFFC000  }
0x99: {  	[hbm4b:s24+s7] =	stream.linear.scatter [tilespmem:s10], [sflag:$0x2], $0x10000, $0x38;
	[tilespmem:$0x10080] =	vst v63  }
0x9a: {  	_ =	swait.ge [sflag:s9], $0x10000  }
0x9b: {  	[sflag:s9] =	ssyncset.done $0x0  }
0x9c: {  	s25 =	sadd.s32 s29, s25;
	[sflag:s9] =	ssyncadd.s32 $0xFFFF0000  }
0x9d: {  	[tilespmem:s7], [sflag:$0x2] =	stream.linear.gather [hbm4b:s25+s7], $0x80, $0x38;
	[tilespmem:$0x10080] =	vst v63  }
0x9e: {  	_ =	swait.ge [sflag:s9], $0x80  }
0x9f: {  	[sflag:s9] =	ssyncset.done $0x0  }
0xa0: {  	[sflag:s9] =	ssyncadd.s32 $0xFFFFFF80  }
0xa1: {  	[tilespmem:s10], [sflag:$0x1] =	stream.indirect.gather [hbm4b:s5+s10], $0x80, s7, s10, $0xb8;
	[tilespmem:$0x10080] =	vst v63  }
0xa2: {  	_ =	swait.ge [sflag:s11], $0x4000  }
0xa3: {  	[sflag:s11] =	ssyncset.done $0x0  }
0xa4: {  	s26 =	sadd.s32 s29, s26;
	[sflag:s11] =	ssyncadd.s32 $0xFFFFC000  }
0xa5: {  	[tilespmem:s7], [sflag:$0x2] =	stream.linear.gather [hbm4b:s26+s7], $0x80, $0x38;
	[tilespmem:$0x10080] =	vst v63  }
0xa6: {  	_ =	swait.ge [sflag:s9], $0x80  }
0xa7: {  	[sflag:s9] =	ssyncset.done $0x0  }
0xa8: {  	[sflag:s9] =	ssyncadd.s32 $0xFFFFFF80  }
0xa9: {  	[tilespmem:s13], [sflag:$0x1] =	stream.indirect.gather [hbm4b:s5+s10], $0x80, s7, s10, $0xb8;
	[tilespmem:$0x10080] =	vst v63  }
0xaa: {  	_ =	swait.ge [sflag:s11], $0x4000  }
0xab: {  	[sflag:s11] =	ssyncset.done $0x0  }
0xac: {  	s28 =	sadd.s32 s29, s28;
	[sflag:s11] =	ssyncadd.s32 $0xFFFFC000  }
0xad: {  	[tilespmem:s7], [sflag:$0x2] =	stream.linear.gather [hbm4b:s28+s7], $0x80, $0x38;
	[tilespmem:$0x10080] =	vst v63  }
0xae: {  	_ =	swait.ge [sflag:s9], $0x80  }
0xaf: {  	[sflag:s9] =	ssyncset.done $0x0  }
0xb0: {  	[sflag:s9] =	ssyncadd.s32 $0xFFFFFF80  }
0xb1: {  	[tilespmem:s15], [sflag:$0x1] =	stream.indirect.gather [hbm4b:s5+s10], $0x80, s7, s10, $0xb8;
	[tilespmem:$0x10080] =	vst v63  }
0xb2: {  	_ =	swait.ge [sflag:s11], $0x4000  }
0xb3: {  	[sflag:s11] =	ssyncset.done $0x0  }
0xb4: {  	s29 =	sadd.s32 s29, s6;
	s6 =	ssub.s32 $0x2, s30;
	[sflag:s11] =	ssyncadd.s32 $0xFFFFC000  }
0xb5: {  	[tilespmem:s7], [sflag:$0x2] =	stream.linear.gather [hbm4b:s29+s7], $0x80, $0x38;
	[tilespmem:$0x10080] =	vst v63  }
0xb6: {  	s30 =	sshrl.u32 s6, $0x1;
	_ =	swait.ge [sflag:s9], $0x80  }
0xb7: {  	s6 =	ssub.s32 s6, s30;
	[sflag:s9] =	ssyncset.done $0x0  }
0xb8: {  	s6 =	smax.u32 s6, $0x1;
	[sflag:s9] =	ssyncadd.s32 $0xFFFFFF80  }
0xb9: {  	[tilespmem:s17], [sflag:$0x1] =	stream.indirect.gather [hbm4b:s5+s10], $0x80, s7, s10, $0xb8;
	[tilespmem:$0x10080] =	vst v63  }
0xba: {  	p0 =	sne.s32 s6, $0x1;
	_ =	swait.ge [sflag:s11], $0x4000  }
.Ltmp0:
0xbb: {  	[sflag:s11] =	ssyncset.done $0x0;
	(pc) =	sbr.rel @!p0 .LBB2_2-.Ltmp0, $4  }
0xbc: {  	s30 =	sadd.s32 $0x103000, s31;
	[sflag:s11] =	ssyncadd.s32 $0xFFFFC000  }
0xbd: {  	[hbm4b:s30+s7] =	stream.linear.scatter [tilespmem:s10], [sflag:$0x2], $0x10000, $0x38;
	[tilespmem:$0x10080] =	vst v63  }
0xbe: {  	_ =	swait.ge [sflag:s9], $0x10000  }
0xbf: {  	s31 =	sadd.s32 $0xFFFFFFFF, s6;
	[sflag:s9] =	ssyncset.done $0x0  }
.LBB2_1:
0xc0: {  	[sflag:s9] =	ssyncadd.s32 $0xFFFF0000  }
0xc1: {  	[tilespmem:s7], [sflag:$0x2] =	stream.linear.gather [hbm4b:s8+s7], $0x80, $0x38;
	[tilespmem:$0x10080] =	vst v63  }
0xc2: {  	_ =	swait.ge [sflag:s9], $0x80  }
0xc3: {  	[sflag:s9] =	ssyncset.done $0x0  }
0xc4: {  	[sflag:s9] =	ssyncadd.s32 $0xFFFFFF80  }
0xc5: {  	[tilespmem:s10], [sflag:$0x1] =	stream.indirect.gather [hbm4b:s0+s10], $0x80, s7, s10, $0xb8;
	[tilespmem:$0x10080] =	vst v63  }
0xc6: {  	_ =	swait.ge [sflag:s11], $0x4000  }
0xc7: {  	[sflag:s11] =	ssyncset.done $0x0  }
0xc8: {  	[sflag:s11] =	ssyncadd.s32 $0xFFFFC000  }
0xc9: {  	[tilespmem:s7], [sflag:$0x2] =	stream.linear.gather [hbm4b:s12+s7], $0x80, $0x38;
	[tilespmem:$0x10080] =	vst v63  }
0xca: {  	_ =	swait.ge [sflag:s9], $0x80  }
0xcb: {  	[sflag:s9] =	ssyncset.done $0x0  }
0xcc: {  	[sflag:s9] =	ssyncadd.s32 $0xFFFFFF80  }
0xcd: {  	[tilespmem:s13], [sflag:$0x1] =	stream.indirect.gather [hbm4b:s0+s10], $0x80, s7, s10, $0xb8;
	[tilespmem:$0x10080] =	vst v63  }
0xce: {  	_ =	swait.ge [sflag:s11], $0x4000  }
0xcf: {  	[sflag:s11] =	ssyncset.done $0x0  }
0xd0: {  	[sflag:s11] =	ssyncadd.s32 $0xFFFFC000  }
0xd1: {  	[tilespmem:s7], [sflag:$0x2] =	stream.linear.gather [hbm4b:s14+s7], $0x80, $0x38;
	[tilespmem:$0x10080] =	vst v63  }
0xd2: {  	_ =	swait.ge [sflag:s9], $0x80  }
0xd3: {  	[sflag:s9] =	ssyncset.done $0x0  }
0xd4: {  	[sflag:s9] =	ssyncadd.s32 $0xFFFFFF80  }
0xd5: {  	[tilespmem:s15], [sflag:$0x1] =	stream.indirect.gather [hbm4b:s0+s10], $0x80, s7, s10, $0xb8;
	[tilespmem:$0x10080] =	vst v63  }
0xd6: {  	_ =	swait.ge [sflag:s11], $0x4000  }
0xd7: {  	[sflag:s11] =	ssyncset.done $0x0  }
0xd8: {  	[sflag:s11] =	ssyncadd.s32 $0xFFFFC000  }
0xd9: {  	[tilespmem:s7], [sflag:$0x2] =	stream.linear.gather [hbm4b:s16+s7], $0x80, $0x38;
	[tilespmem:$0x10080] =	vst v63  }
0xda: {  	_ =	swait.ge [sflag:s9], $0x80  }
0xdb: {  	[sflag:s9] =	ssyncset.done $0x0  }
0xdc: {  	[sflag:s9] =	ssyncadd.s32 $0xFFFFFF80  }
0xdd: {  	[tilespmem:s17], [sflag:$0x1] =	stream.indirect.gather [hbm4b:s0+s10], $0x80, s7, s10, $0xb8;
	[tilespmem:$0x10080] =	vst v63  }
0xde: {  	_ =	swait.ge [sflag:s11], $0x4000  }
0xdf: {  	[sflag:s11] =	ssyncset.done $0x0  }
0xe0: {  	s6 =	rddreg [dreg:$0xa];
	[sflag:s11] =	ssyncadd.s32 $0xFFFFC000  }
0xe1: {  	[hbm4b:s6+s7] =	stream.linear.scatter [tilespmem:s10], [sflag:$0x2], $0x10000, $0x38;
	[tilespmem:$0x10080] =	vst v63  }
0xe2: {  	_ =	swait.ge [sflag:s9], $0x10000  }
0xe3: {  	[sflag:s9] =	ssyncset.done $0x0  }
0xe4: {  	[sflag:s9] =	ssyncadd.s32 $0xFFFF0000  }
0xe5: {  	[tilespmem:s7], [sflag:$0x2] =	stream.linear.gather [hbm4b:s8+s7], $0x80, $0x38;
	[tilespmem:$0x10080] =	vst v63  }
0xe6: {  	_ =	swait.ge [sflag:s9], $0x80  }
0xe7: {  	[sflag:s9] =	ssyncset.done $0x0  }
0xe8: {  	[sflag:s9] =	ssyncadd.s32 $0xFFFFFF80  }
0xe9: {  	[tilespmem:s10], [sflag:$0x1] =	stream.indirect.gather [hbm4b:s1+s10], $0x80, s7, s10, $0xb8;
	[tilespmem:$0x10080] =	vst v63  }
0xea: {  	_ =	swait.ge [sflag:s11], $0x4000  }
0xeb: {  	[sflag:s11] =	ssyncset.done $0x0  }
0xec: {  	[sflag:s11] =	ssyncadd.s32 $0xFFFFC000  }
0xed: {  	[tilespmem:s7], [sflag:$0x2] =	stream.linear.gather [hbm4b:s12+s7], $0x80, $0x38;
	[tilespmem:$0x10080] =	vst v63  }
0xee: {  	_ =	swait.ge [sflag:s9], $0x80  }
0xef: {  	[sflag:s9] =	ssyncset.done $0x0  }
0xf0: {  	[sflag:s9] =	ssyncadd.s32 $0xFFFFFF80  }
0xf1: {  	[tilespmem:s13], [sflag:$0x1] =	stream.indirect.gather [hbm4b:s1+s10], $0x80, s7, s10, $0xb8;
	[tilespmem:$0x10080] =	vst v63  }
0xf2: {  	_ =	swait.ge [sflag:s11], $0x4000  }
0xf3: {  	[sflag:s11] =	ssyncset.done $0x0  }
0xf4: {  	[sflag:s11] =	ssyncadd.s32 $0xFFFFC000  }
0xf5: {  	[tilespmem:s7], [sflag:$0x2] =	stream.linear.gather [hbm4b:s14+s7], $0x80, $0x38;
	[tilespmem:$0x10080] =	vst v63  }
0xf6: {  	_ =	swait.ge [sflag:s9], $0x80  }
0xf7: {  	[sflag:s9] =	ssyncset.done $0x0  }
0xf8: {  	[sflag:s9] =	ssyncadd.s32 $0xFFFFFF80  }
0xf9: {  	[tilespmem:s15], [sflag:$0x1] =	stream.indirect.gather [hbm4b:s1+s10], $0x80, s7, s10, $0xb8;
	[tilespmem:$0x10080] =	vst v63  }
0xfa: {  	_ =	swait.ge [sflag:s11], $0x4000  }
0xfb: {  	[sflag:s11] =	ssyncset.done $0x0  }
0xfc: {  	[sflag:s11] =	ssyncadd.s32 $0xFFFFC000  }
0xfd: {  	[tilespmem:s7], [sflag:$0x2] =	stream.linear.gather [hbm4b:s16+s7], $0x80, $0x38;
	[tilespmem:$0x10080] =	vst v63  }
0xfe: {  	_ =	swait.ge [sflag:s9], $0x80  }
0xff: {  	[sflag:s9] =	ssyncset.done $0x0  }
0x100: {  	[sflag:s9] =	ssyncadd.s32 $0xFFFFFF80  }
0x101: {  	[tilespmem:s17], [sflag:$0x1] =	stream.indirect.gather [hbm4b:s1+s10], $0x80, s7, s10, $0xb8;
	[tilespmem:$0x10080] =	vst v63  }
0x102: {  	_ =	swait.ge [sflag:s11], $0x4000  }
0x103: {  	[sflag:s11] =	ssyncset.done $0x0  }
0x104: {  	[sflag:s11] =	ssyncadd.s32 $0xFFFFC000  }
0x105: {  	[hbm4b:s18+s7] =	stream.linear.scatter [tilespmem:s10], [sflag:$0x2], $0x10000, $0x38;
	[tilespmem:$0x10080] =	vst v63  }
0x106: {  	_ =	swait.ge [sflag:s9], $0x10000  }
0x107: {  	[sflag:s9] =	ssyncset.done $0x0  }
0x108: {  	[sflag:s9] =	ssyncadd.s32 $0xFFFF0000  }
0x109: {  	[tilespmem:s7], [sflag:$0x2] =	stream.linear.gather [hbm4b:s19+s7], $0x80, $0x38;
	[tilespmem:$0x10080] =	vst v63  }
0x10a: {  	_ =	swait.ge [sflag:s9], $0x80  }
0x10b: {  	[sflag:s9] =	ssyncset.done $0x0  }
0x10c: {  	[sflag:s9] =	ssyncadd.s32 $0xFFFFFF80  }
0x10d: {  	[tilespmem:s10], [sflag:$0x1] =	stream.indirect.gather [hbm4b:s2+s10], $0x80, s7, s10, $0xb8;
	[tilespmem:$0x10080] =	vst v63  }
0x10e: {  	_ =	swait.ge [sflag:s11], $0x4000  }
0x10f: {  	[sflag:s11] =	ssyncset.done $0x0  }
0x110: {  	[sflag:s11] =	ssyncadd.s32 $0xFFFFC000  }
0x111: {  	[tilespmem:s7], [sflag:$0x2] =	stream.linear.gather [hbm4b:s20+s7], $0x80, $0x38;
	[tilespmem:$0x10080] =	vst v63  }
0x112: {  	_ =	swait.ge [sflag:s9], $0x80  }
0x113: {  	[sflag:s9] =	ssyncset.done $0x0  }
0x114: {  	[sflag:s9] =	ssyncadd.s32 $0xFFFFFF80  }
0x115: {  	[tilespmem:s13], [sflag:$0x1] =	stream.indirect.gather [hbm4b:s2+s10], $0x80, s7, s10, $0xb8;
	[tilespmem:$0x10080] =	vst v63  }
0x116: {  	_ =	swait.ge [sflag:s11], $0x4000  }
0x117: {  	[sflag:s11] =	ssyncset.done $0x0  }
0x118: {  	[sflag:s11] =	ssyncadd.s32 $0xFFFFC000  }
0x119: {  	[tilespmem:s7], [sflag:$0x2] =	stream.linear.gather [hbm4b:s21+s7], $0x80, $0x38;
	[tilespmem:$0x10080] =	vst v63  }
0x11a: {  	_ =	swait.ge [sflag:s9], $0x80  }
0x11b: {  	[sflag:s9] =	ssyncset.done $0x0  }
0x11c: {  	[sflag:s9] =	ssyncadd.s32 $0xFFFFFF80  }
0x11d: {  	[tilespmem:s15], [sflag:$0x1] =	stream.indirect.gather [hbm4b:s2+s10], $0x80, s7, s10, $0xb8;
	[tilespmem:$0x10080] =	vst v63  }
0x11e: {  	_ =	swait.ge [sflag:s11], $0x4000  }
0x11f: {  	[sflag:s11] =	ssyncset.done $0x0  }
0x120: {  	[sflag:s11] =	ssyncadd.s32 $0xFFFFC000  }
0x121: {  	[tilespmem:s7], [sflag:$0x2] =	stream.linear.gather [hbm4b:s22+s7], $0x80, $0x38;
	[tilespmem:$0x10080] =	vst v63  }
0x122: {  	_ =	swait.ge [sflag:s9], $0x80  }
0x123: {  	[sflag:s9] =	ssyncset.done $0x0  }
0x124: {  	[sflag:s9] =	ssyncadd.s32 $0xFFFFFF80  }
0x125: {  	[tilespmem:s17], [sflag:$0x1] =	stream.indirect.gather [hbm4b:s2+s10], $0x80, s7, s10, $0xb8;
	[tilespmem:$0x10080] =	vst v63  }
0x126: {  	_ =	swait.ge [sflag:s11], $0x4000  }
0x127: {  	[sflag:s11] =	ssyncset.done $0x0  }
0x128: {  	[sflag:s11] =	ssyncadd.s32 $0xFFFFC000  }
0x129: {  	[hbm4b:s23+s7] =	stream.linear.scatter [tilespmem:s10], [sflag:$0x2], $0x10000, $0x38;
	[tilespmem:$0x10080] =	vst v63  }
0x12a: {  	_ =	swait.ge [sflag:s9], $0x10000  }
0x12b: {  	[sflag:s9] =	ssyncset.done $0x0  }
0x12c: {  	[sflag:s9] =	ssyncadd.s32 $0xFFFF0000  }
0x12d: {  	[tilespmem:s7], [sflag:$0x2] =	stream.linear.gather [hbm4b:s19+s7], $0x80, $0x38;
	[tilespmem:$0x10080] =	vst v63  }
0x12e: {  	_ =	swait.ge [sflag:s9], $0x80  }
0x12f: {  	[sflag:s9] =	ssyncset.done $0x0  }
0x130: {  	[sflag:s9] =	ssyncadd.s32 $0xFFFFFF80  }
0x131: {  	[tilespmem:s10], [sflag:$0x1] =	stream.indirect.gather [hbm4b:s4+s10], $0x80, s7, s10, $0xb8;
	[tilespmem:$0x10080] =	vst v63  }
0x132: {  	_ =	swait.ge [sflag:s11], $0x4000  }
0x133: {  	[sflag:s11] =	ssyncset.done $0x0  }
0x134: {  	[sflag:s11] =	ssyncadd.s32 $0xFFFFC000  }
0x135: {  	[tilespmem:s7], [sflag:$0x2] =	stream.linear.gather [hbm4b:s20+s7], $0x80, $0x38;
	[tilespmem:$0x10080] =	vst v63  }
0x136: {  	_ =	swait.ge [sflag:s9], $0x80  }
0x137: {  	[sflag:s9] =	ssyncset.done $0x0  }
0x138: {  	[sflag:s9] =	ssyncadd.s32 $0xFFFFFF80  }
0x139: {  	[tilespmem:s13], [sflag:$0x1] =	stream.indirect.gather [hbm4b:s4+s10], $0x80, s7, s10, $0xb8;
	[tilespmem:$0x10080] =	vst v63  }
0x13a: {  	_ =	swait.ge [sflag:s11], $0x4000  }
0x13b: {  	[sflag:s11] =	ssyncset.done $0x0  }
0x13c: {  	[sflag:s11] =	ssyncadd.s32 $0xFFFFC000  }
0x13d: {  	[tilespmem:s7], [sflag:$0x2] =	stream.linear.gather [hbm4b:s21+s7], $0x80, $0x38;
	[tilespmem:$0x10080] =	vst v63  }
0x13e: {  	_ =	swait.ge [sflag:s9], $0x80  }
0x13f: {  	[sflag:s9] =	ssyncset.done $0x0  }
0x140: {  	[sflag:s9] =	ssyncadd.s32 $0xFFFFFF80  }
0x141: {  	[tilespmem:s15], [sflag:$0x1] =	stream.indirect.gather [hbm4b:s4+s10], $0x80, s7, s10, $0xb8;
	[tilespmem:$0x10080] =	vst v63  }
0x142: {  	_ =	swait.ge [sflag:s11], $0x4000  }
0x143: {  	[sflag:s11] =	ssyncset.done $0x0  }
0x144: {  	[sflag:s11] =	ssyncadd.s32 $0xFFFFC000  }
0x145: {  	[tilespmem:s7], [sflag:$0x2] =	stream.linear.gather [hbm4b:s22+s7], $0x80, $0x38;
	[tilespmem:$0x10080] =	vst v63  }
0x146: {  	_ =	swait.ge [sflag:s9], $0x80  }
0x147: {  	[sflag:s9] =	ssyncset.done $0x0  }
0x148: {  	[sflag:s9] =	ssyncadd.s32 $0xFFFFFF80  }
0x149: {  	[tilespmem:s17], [sflag:$0x1] =	stream.indirect.gather [hbm4b:s4+s10], $0x80, s7, s10, $0xb8;
	[tilespmem:$0x10080] =	vst v63  }
0x14a: {  	_ =	swait.ge [sflag:s11], $0x4000  }
0x14b: {  	[sflag:s11] =	ssyncset.done $0x0  }
0x14c: {  	[sflag:s11] =	ssyncadd.s32 $0xFFFFC000  }
0x14d: {  	[hbm4b:s24+s7] =	stream.linear.scatter [tilespmem:s10], [sflag:$0x2], $0x10000, $0x38;
	[tilespmem:$0x10080] =	vst v63  }
0x14e: {  	_ =	swait.ge [sflag:s9], $0x10000  }
0x14f: {  	[sflag:s9] =	ssyncset.done $0x0  }
0x150: {  	[sflag:s9] =	ssyncadd.s32 $0xFFFF0000  }
0x151: {  	[tilespmem:s7], [sflag:$0x2] =	stream.linear.gather [hbm4b:s25+s7], $0x80, $0x38;
	[tilespmem:$0x10080] =	vst v63  }
0x152: {  	_ =	swait.ge [sflag:s9], $0x80  }
0x153: {  	[sflag:s9] =	ssyncset.done $0x0  }
0x154: {  	[sflag:s9] =	ssyncadd.s32 $0xFFFFFF80  }
0x155: {  	[tilespmem:s10], [sflag:$0x1] =	stream.indirect.gather [hbm4b:s5+s10], $0x80, s7, s10, $0xb8;
	[tilespmem:$0x10080] =	vst v63  }
0x156: {  	_ =	swait.ge [sflag:s11], $0x4000  }
0x157: {  	[sflag:s11] =	ssyncset.done $0x0  }
0x158: {  	[sflag:s11] =	ssyncadd.s32 $0xFFFFC000  }
0x159: {  	[tilespmem:s7], [sflag:$0x2] =	stream.linear.gather [hbm4b:s26+s7], $0x80, $0x38;
	[tilespmem:$0x10080] =	vst v63  }
0x15a: {  	_ =	swait.ge [sflag:s9], $0x80  }
0x15b: {  	[sflag:s9] =	ssyncset.done $0x0  }
0x15c: {  	[sflag:s9] =	ssyncadd.s32 $0xFFFFFF80  }
0x15d: {  	[tilespmem:s13], [sflag:$0x1] =	stream.indirect.gather [hbm4b:s5+s10], $0x80, s7, s10, $0xb8;
	[tilespmem:$0x10080] =	vst v63  }
0x15e: {  	_ =	swait.ge [sflag:s11], $0x4000  }
0x15f: {  	[sflag:s11] =	ssyncset.done $0x0  }
0x160: {  	[sflag:s11] =	ssyncadd.s32 $0xFFFFC000  }
0x161: {  	[tilespmem:s7], [sflag:$0x2] =	stream.linear.gather [hbm4b:s28+s7], $0x80, $0x38;
	[tilespmem:$0x10080] =	vst v63  }
0x162: {  	_ =	swait.ge [sflag:s9], $0x80  }
0x163: {  	[sflag:s9] =	ssyncset.done $0x0  }
0x164: {  	[sflag:s9] =	ssyncadd.s32 $0xFFFFFF80  }
0x165: {  	[tilespmem:s15], [sflag:$0x1] =	stream.indirect.gather [hbm4b:s5+s10], $0x80, s7, s10, $0xb8;
	[tilespmem:$0x10080] =	vst v63  }
0x166: {  	_ =	swait.ge [sflag:s11], $0x4000  }
0x167: {  	[sflag:s11] =	ssyncset.done $0x0  }
0x168: {  	[sflag:s11] =	ssyncadd.s32 $0xFFFFC000  }
0x169: {  	[tilespmem:s7], [sflag:$0x2] =	stream.linear.gather [hbm4b:s29+s7], $0x80, $0x38;
	[tilespmem:$0x10080] =	vst v63  }
0x16a: {  	_ =	swait.ge [sflag:s9], $0x80  }
0x16b: {  	[sflag:s9] =	ssyncset.done $0x0  }
0x16c: {  	[sflag:s9] =	ssyncadd.s32 $0xFFFFFF80  }
0x16d: {  	[tilespmem:s17], [sflag:$0x1] =	stream.indirect.gather [hbm4b:s5+s10], $0x80, s7, s10, $0xb8;
	[tilespmem:$0x10080] =	vst v63  }
0x16e: {  	p0 =	sne.s32 s31, $0x1;
	_ =	swait.ge [sflag:s11], $0x4000  }
.Ltmp1:
0x16f: {  	[sflag:s11] =	ssyncset.done $0x0;
	(pc) =	sbr.rel @p0 .LBB2_1-.Ltmp1, $4  }
0x170: {  	[sflag:s11] =	ssyncadd.s32 $0xFFFFC000  }
0x171: {  	[hbm4b:s30+s7] =	stream.linear.scatter [tilespmem:s10], [sflag:$0x2], $0x10000, $0x38;
	[tilespmem:$0x10080] =	vst v63  }
0x172: {  	_ =	swait.ge [sflag:s9], $0x10000  }
0x173: {  	s31 =	sadd.s32 $0xFFFFFFFF, s31;
	[sflag:s9] =	ssyncset.done $0x0  }
.LBB2_2:
0x174: {  	[sflag:s9] =	ssyncadd.s32 $0xFFFF0000  }
0x175: {  	_ =	sfence.sel $0x180000  }
0x176: {  	[bflag:$0x0] =	sbarrier.arrive $0xFFFF  }
0x177: {  	_ =	strace $0x90000047  }
0x178: {  	[bflag:$0x2] =	sbarrier.arrive $0xFFFF  }
0x179: {  	p0 =	sne.s32 s3, $0x0;
	s0 =	rddreg [dreg:$0x9]  }
0x17a: {  	s0 =	sadd.s32 @!p0 $0x100000, s0  }
0x17b: {  	[sflag:s0] =	ssyncadd.tile.s32 @!p0 $0x1;
	_ =	shalt  }
.Lfunc_end2:
_tile_overlayer_lowered:
.L_overlay_start_2:
0x17c: {  	(tag) =	ssettag $0x2  }
0x17d: {  	s0 =	rddreg [dreg:$0x0];
	s2 =	stileid.u32  }
0x17e: {  	s1 =	rddreg [dreg:$0x1];
	p0 =	sne.s32 s2, $0x0  }
0x17f: {  	s3 =	rddreg [dreg:$0x2];
	[bflag:$0x3] =	sbarrier.arrive $0xFFFF;
	s2 =	simm.s32 @!p0 $0x1C02  }
0x180: {  	[timem:s3], [sflag:s2] =	dma.local @!p0 [hbm:s0], s1  }
0x181: {  	s0 =	simm.s32 @!p0 $0x2  }
0x182: {  	_ =	swait.ge @!p0 [sflag:s0], s1  }
0x183: {  	s1 =	ssub.s32 @!p0 $0x0, s1;
	[sflag:s0] =	ssyncset.done @!p0 $0x0  }
0x184: {  	[sflag:s0] =	ssyncadd.s32 @!p0 s1  }
0x185: {  	[bflag:$0x3] =	sbarrier.arrive $0xFFFF  }
0x186: {  	_ =	shalt  }

</sc_bundles>
